<compile_context>
chip_gen: v7x
topology: tpu7x:2x2x1
jax: 0.10.2.dev20260603
libtpu: 0.0.44.dev20260713+nightly
codegen_flags: <defaults>
</compile_context>

<pallas_src>
import jax
import jax.numpy as jnp
from jax import lax
from jax.experimental import pallas as pl
from jax.experimental.pallas import tpu as pltpu
from jax.experimental.pallas import tpu_sc as plsc

NC = 2
NS = 16
NW = NC * NS
L = 16
EPS = 1e-12


def _lane_sum(v):
    idx = lax.iota(jnp.int32, L)
    dnums = lax.GatherDimensionNumbers(
        offset_dims=(), collapsed_slice_dims=(0,), start_index_map=(0,))
    for sh in (8, 4, 2, 1):
        perm = lax.gather(v, (idx ^ sh)[:, None], dnums, (1,),
                          mode=lax.GatherScatterMode.PROMISE_IN_BOUNDS)
        v = v + perm
    return v


def _rsqrt_nr(x):
    i = plsc.bitcast(x, jnp.int32)
    i = jnp.int32(0x5F3759DF) - (i >> 1)
    y = plsc.bitcast(i, jnp.float32)
    xh = x * 0.5
    for _ in range(3):
        y = y * (1.5 - xh * y * y)
    return y


def _make_sc_kernel(n_tok, hidden, n_small, nch, c):
    nh = hidden // L
    per_w = nch * c
    gs = 128 // c
    mesh = plsc.VectorSubcoreMesh(core_axis_name="c", subcore_axis_name="s")

    def body(idxw_hbm, idxs_hbm, word_hbm, small_hbm, gb_hbm, out_hbm,
             idxw_v, idxs_v, gb_v,
             wbuf0, wbuf1, sbuf0, sbuf1, obuf0, obuf1,
             small_spm,
             semw0, semw1, semb0, semb1, sema0, sema1, semo0, semo1):
        wid = lax.axis_index("s") * NC + lax.axis_index("c")
        sid = lax.axis_index("s")
        base = wid * per_w

        @pl.when(sid == 0)
        def _():
            pltpu.sync_copy(small_hbm, small_spm)

        pltpu.sync_copy(idxw_hbm.at[wid], idxw_v)
        pltpu.sync_copy(idxs_hbm.at[wid], idxs_v)
        pltpu.sync_copy(gb_hbm, gb_v)
        plsc.subcore_barrier()

        g = [gb_v[0, pl.ds(h * L, L)] for h in range(nh)]
        b = [gb_v[1, pl.ds(h * L, L)] for h in range(nh)]

        wbufs = (wbuf0, wbuf1)
        sbufs = (sbuf0, sbuf1)
        obufs = (obuf0, obuf1)
        semw = (semw0, semw1)
        semb = (semb0, semb1)
        sema = (sema0, sema1)
        semo = (semo0, semo1)

        def widx(cg, s):
            return idxw_v.at[cg + s // gs, pl.ds((s % gs) * c, c)]

        def sidx_base(ci):
            return idxs_v.at[ci, pl.ds(0, c)]

        def sidx_add(ci):
            return idxs_v.at[ci, pl.ds(c, c)]

        def issue(cg, s, ci, slot):
            pltpu.async_copy(word_hbm.at[widx(cg, s)], wbufs[slot],
                             semw[slot])
            pltpu.async_copy(small_spm.at[sidx_base(ci)], sbufs[slot],
                             semb[slot])

        def wait_base_issue_add(ci, slot):
            pltpu.make_async_copy(small_spm.at[sidx_base(ci)], sbufs[slot],
                                  semb[slot]).wait()
            pltpu.async_copy(small_spm.at[sidx_add(ci)], sbufs[slot],
                             sema[slot], add=True)

        def wait_in(cg, s, ci, slot):
            pltpu.make_async_copy(word_hbm.at[widx(cg, s)], wbufs[slot],
                                  semw[slot]).wait()
            pltpu.make_async_copy(small_spm.at[sidx_add(ci)], sbufs[slot],
                                  sema[slot]).wait()

        def out_slice(ci):
            return out_hbm.at[pl.ds(base + ci * c, c)]

        def drain_out(ci, slot):
            pltpu.make_async_copy(obufs[slot], out_slice(ci),
                                  semo[slot]).wait()

        issue(0, 0, 0, 0)
        wait_base_issue_add(0, 0)

        @pl.loop(0, nch // gs)
        def chunk_group(cg):
            for s in range(gs):
                ci = cg * gs + s
                sl = s % 2
                wbuf, sbuf, obuf = wbufs[sl], sbufs[sl], obufs[sl]

                @pl.when(ci + 1 < nch)
                def _():
                    issue(cg, s + 1, ci + 1, 1 - sl)

                wait_in(cg, s, ci, sl)

                @pl.when(ci + 1 < nch)
                def _():
                    wait_base_issue_add(ci + 1, 1 - sl)

                @pl.when(ci >= 2)
                def _():
                    drain_out(ci - 2, sl)

                @plsc.parallel_loop(0, c, unroll=2)
                def tok_body(t):
                    ys = []
                    for h in range(nh):
                        hsl = pl.ds(h * L, L)
                        ys.append(wbuf[t, hsl] + sbuf[t, hsl])
                    s1 = ys[0]
                    s2 = ys[0] * ys[0]
                    for h in range(1, nh):
                        s1 = s1 + ys[h]
                        s2 = s2 + ys[h] * ys[h]
                    tot1 = _lane_sum(s1)
                    tot2 = _lane_sum(s2)
                    mu = tot1 * (1.0 / hidden)
                    var = tot2 * (1.0 / hidden) - mu * mu
                    r = _rsqrt_nr(jnp.maximum(var, 0.0) + EPS)
                    for h in range(nh):
                        obuf[t, pl.ds(h * L, L)] = \
                            (ys[h] - mu) * r * g[h] + b[h]

                pltpu.async_copy(obuf, out_slice(ci), semo[sl])

        drain_out(nch - 2, 0)
        drain_out(nch - 1, 1)

    return pl.kernel(
        body,
        out_type=jax.ShapeDtypeStruct((n_tok, hidden), jnp.float32),
        mesh=mesh,
        compiler_params=pltpu.CompilerParams(needs_layout_passes=False),
        scratch_types=[
            pltpu.VMEM((nch // gs, 128), jnp.int32),
            pltpu.VMEM((nch, 128), jnp.int32),
            pltpu.VMEM((2, hidden), jnp.float32),
            pltpu.VMEM((c, hidden), jnp.float32),
            pltpu.VMEM((c, hidden), jnp.float32),
            pltpu.VMEM((c, hidden), jnp.float32),
            pltpu.VMEM((c, hidden), jnp.float32),
            pltpu.VMEM((c, hidden), jnp.float32),
            pltpu.VMEM((c, hidden), jnp.float32),
            pltpu.VMEM_SHARED((n_small, hidden), jnp.float32),
            pltpu.SemaphoreType.DMA,
            pltpu.SemaphoreType.DMA,
            pltpu.SemaphoreType.DMA,
            pltpu.SemaphoreType.DMA,
            pltpu.SemaphoreType.DMA,
            pltpu.SemaphoreType.DMA,
            pltpu.SemaphoreType.DMA,
            pltpu.SemaphoreType.DMA,
        ],
    )


@jax.jit
def kernel(input_ids, token_type_ids, visit_time_ids, physical_time_ids,
           word_emb, token_type_emb, visit_emb, phys_emb, gamma, beta):
    bsz, seq = input_ids.shape
    hidden = word_emb.shape[1]
    n_phys = phys_emb.shape[0]
    n_vis = visit_emb.shape[0]
    n_tt = token_type_emb.shape[0]
    n_small = n_phys + n_tt * n_vis
    n_tok = bsz * seq
    c = 64
    nch = n_tok // (NW * c)

    idxw = input_ids.reshape(-1).astype(jnp.int32).reshape(
        NW, nch * c // 128, 128)
    ismall = jnp.stack([
        physical_time_ids.reshape(-1).astype(jnp.int32),
        n_phys + token_type_ids.reshape(-1).astype(jnp.int32) * n_vis
        + visit_time_ids.reshape(-1).astype(jnp.int32),
    ], axis=-1)
    idxs = ismall.reshape(NW, nch, c, 2).transpose(0, 1, 3, 2)
    idxs = idxs.reshape(NW, nch, 2 * c)
    if 2 * c < 128:
        idxs = jnp.pad(idxs, ((0, 0), (0, 0), (0, 128 - 2 * c)))
    ttvis = (token_type_emb[:, None, :] + visit_emb[None, :, :]).reshape(
        n_tt * n_vis, hidden)
    small_tbl = jnp.concatenate([phys_emb, ttvis])
    gb = jnp.stack([gamma, beta]).astype(jnp.float32)

    sc = _make_sc_kernel(n_tok, hidden, n_small, nch, c)
    out = sc(idxw, idxs, word_emb, small_tbl, gb)
    return out.reshape(bsz, seq, hidden)

# --- scband reference (transcript-rebuilt; emitter-appended) ---
"""Pipeline reference for scband-my-embeddings-69904887710442 (READ-ONLY COPY).

The authoritative reference and input builder live on the scoring server;
editing this copy changes nothing except your own understanding.
"""

import jax, jax.numpy as jnp
import numpy as np

VOCAB = 100000
HIDDEN = 128
TYPE_VOCAB = 2
MAX_VISIT = 512
MAX_PHYS = 5000
B, S = 1024, 200
EPS = 1e-12


def setup_inputs(seed: int = 0) -> dict:
    key = jax.random.key(seed)
    ks = jax.random.split(key, 10)
    input_ids = jax.random.randint(ks[0], (B, S), 0, VOCAB)
    token_type_ids = jax.random.randint(ks[1], (B, S), 0, TYPE_VOCAB)
    visit_time_ids = jax.random.randint(ks[2], (B, S), 0, MAX_VISIT)
    physical_time_ids = jax.random.randint(ks[3], (B, S), 0, MAX_PHYS)
    word_emb = jax.random.normal(ks[4], (VOCAB, HIDDEN), dtype=jnp.float32) * 0.02
    # emulate padding_idx=0: zero row
    word_emb = word_emb.at[0].set(0.0)
    token_type_emb = jax.random.normal(ks[5], (TYPE_VOCAB, HIDDEN), dtype=jnp.float32) * 0.02
    visit_emb = jax.random.normal(ks[6], (MAX_VISIT, HIDDEN), dtype=jnp.float32) * 0.02
    phys_emb = jax.random.normal(ks[7], (MAX_PHYS, HIDDEN), dtype=jnp.float32) * 0.02
    gamma = jnp.ones((HIDDEN,), dtype=jnp.float32)
    beta = jnp.zeros((HIDDEN,), dtype=jnp.float32)
    return {
        "input_ids": input_ids,
        "token_type_ids": token_type_ids,
        "visit_time_ids": visit_time_ids,
        "physical_time_ids": physical_time_ids,
        "word_emb": word_emb,
        "token_type_emb": token_type_emb,
        "visit_emb": visit_emb,
        "phys_emb": phys_emb,
        "gamma": gamma,
        "beta": beta,
    }


def reference(input_ids, token_type_ids, visit_time_ids, physical_time_ids,
              word_emb, token_type_emb, visit_emb, phys_emb, gamma, beta):
    inputs_embeds = jnp.take(word_emb, input_ids, axis=0)
    tt = jnp.take(token_type_emb, token_type_ids, axis=0)
    embeddings = inputs_embeds + tt
    # enable_time_embedding = True
    embeddings = embeddings + jnp.take(visit_emb, visit_time_ids, axis=0)
    embeddings = embeddings + jnp.take(phys_emb, physical_time_ids, axis=0)
    mu = jnp.mean(embeddings, axis=-1, keepdims=True)
    var = jnp.mean((embeddings - mu) ** 2, axis=-1, keepdims=True)
    normed = (embeddings - mu) / jnp.sqrt(var + EPS)
    out = normed * gamma + beta
    # dropout in eval mode is identity
    return out

if __name__ == "__main__":
    import jax
    _d = setup_inputs()
    print(jax.jit(kernel)(*tuple(_d.values())))

</pallas_src>

<mosaic_0001>
#map = affine_map<(d0, d1) -> (0, 0, 0)>
#map1 = affine_map<(d0, d1) -> (0, 0)>
module attributes {stable_mosaic.version = 14 : i64} {
  func.func @body(%arg0: i32, %arg1: i32, %arg2: memref<32x50x128xi32, #tpu.memory_space<hbm>>, %arg3: memref<32x100x128xi32, #tpu.memory_space<hbm>>, %arg4: memref<100000x128xf32, #tpu.memory_space<hbm>>, %arg5: memref<6024x128xf32, #tpu.memory_space<hbm>>, %arg6: memref<2x128xf32, #tpu.memory_space<hbm>>, %arg7: memref<204800x128xf32, #tpu.memory_space<hbm>>, %arg8: memref<50x128xi32, #tpu.memory_space<vmem>>, %arg9: memref<100x128xi32, #tpu.memory_space<vmem>>, %arg10: memref<2x128xf32, #tpu.memory_space<vmem>>, %arg11: memref<64x128xf32, #tpu.memory_space<vmem>>, %arg12: memref<64x128xf32, #tpu.memory_space<vmem>>, %arg13: memref<64x128xf32, #tpu.memory_space<vmem>>, %arg14: memref<64x128xf32, #tpu.memory_space<vmem>>, %arg15: memref<64x128xf32, #tpu.memory_space<vmem>>, %arg16: memref<64x128xf32, #tpu.memory_space<vmem>>, %arg17: memref<6024x128xf32, #tpu.memory_space<vmem_shared>>, %arg18: memref<!tpu.dma_semaphore, #tpu.memory_space<semaphore_mem>>, %arg19: memref<!tpu.dma_semaphore, #tpu.memory_space<semaphore_mem>>, %arg20: memref<!tpu.dma_semaphore, #tpu.memory_space<semaphore_mem>>, %arg21: memref<!tpu.dma_semaphore, #tpu.memory_space<semaphore_mem>>, %arg22: memref<!tpu.dma_semaphore, #tpu.memory_space<semaphore_mem>>, %arg23: memref<!tpu.dma_semaphore, #tpu.memory_space<semaphore_mem>>, %arg24: memref<!tpu.dma_semaphore, #tpu.memory_space<semaphore_mem>>, %arg25: memref<!tpu.dma_semaphore, #tpu.memory_space<semaphore_mem>>) attributes {dimension_semantics = [#tpu.dimension_semantics<core_parallel>, #tpu.dimension_semantics<subcore_parallel>], iteration_bounds = array<i64: 2, 16>, scalar_prefetch = 0 : i64, scratch_operands = 18 : i64, tpu.core_type = #tpu.core_type<sc_vector_subcore>, window_params = [{transform_indices = #map}, {transform_indices = #map}, {transform_indices = #map1}, {transform_indices = #map1}, {transform_indices = #map1}, {transform_indices = #map1}]} {
    %mul3A = arith.constant 2 : i32
    %mul3A_0 = arith.muli %arg1, %mul3A : i32
    %add3A = arith.addi %mul3A_0, %arg0 : i32
    %mul3A_1 = arith.constant 6400 : i32
    %mul3A_2 = arith.muli %add3A, %mul3A_1 : i32
    %eq3A = arith.constant 0 : i32
    %eq3A_3 = arith.cmpi eq, %arg1, %eq3A : i32
    %convert_element_type3A = arith.extui %eq3A_3 : i1 to i32
    %cond3A = arith.constant 0 : i32
    %cond3A_4 = arith.cmpi ne, %convert_element_type3A, %cond3A : i32
    scf.if %cond3A_4 {
      "tpu.region"() ({
        %run_scoped3A = tpu.sem_alloc : memref<!tpu.dma_semaphore, #tpu.memory_space<semaphore_mem>>
        tpu.enqueue_dma source(%arg5 : memref<6024x128xf32, #tpu.memory_space<hbm>>) target(%arg17 : memref<6024x128xf32, #tpu.memory_space<vmem_shared>>) target_semaphore(%run_scoped3A : memref<!tpu.dma_semaphore, #tpu.memory_space<semaphore_mem>>)
        tpu.wait_dma2 semaphore(%run_scoped3A : memref<!tpu.dma_semaphore, #tpu.memory_space<semaphore_mem>>) src(%arg5 : memref<6024x128xf32, #tpu.memory_space<hbm>>) dst(%arg17 : memref<6024x128xf32, #tpu.memory_space<vmem_shared>>)
        tpu.yield
      }) : () -> ()
    } else {
    }
    "tpu.region"() ({
      %run_scoped3A = tpu.sem_alloc : memref<!tpu.dma_semaphore, #tpu.memory_space<semaphore_mem>>
      %dma_start3A_110 = arith.constant 0 : i32
      %dma_start3A_111 = arith.constant 0 : i32
      %dma_start3A_112 = tpu.memref_slice %arg2[%add3A, %dma_start3A_110, %dma_start3A_111] : memref<32x50x128xi32, #tpu.memory_space<hbm>> -> memref<1x50x128xi32, #tpu.memory_space<hbm>>
      %dma_start3A_113 = tpu.memref_squeeze %dma_start3A_112 : memref<1x50x128xi32, #tpu.memory_space<hbm>> -> memref<50x128xi32, #tpu.memory_space<hbm>>
      %dma_start3A_114 = arith.constant 0 : i32
      %dma_start3A_115 = arith.constant 0 : i32
      %dma_start3A_116 = tpu.memref_slice %arg2[%add3A, %dma_start3A_114, %dma_start3A_115] : memref<32x50x128xi32, #tpu.memory_space<hbm>> -> memref<1x50x128xi32, #tpu.memory_space<hbm>>
      %dma_start3A_117 = tpu.memref_squeeze %dma_start3A_116 : memref<1x50x128xi32, #tpu.memory_space<hbm>> -> memref<50x128xi32, #tpu.memory_space<hbm>>
      tpu.enqueue_dma source(%dma_start3A_117 : memref<50x128xi32, #tpu.memory_space<hbm>>) target(%arg8 : memref<50x128xi32, #tpu.memory_space<vmem>>) target_semaphore(%run_scoped3A : memref<!tpu.dma_semaphore, #tpu.memory_space<semaphore_mem>>)
      %dma_wait3A_118 = arith.constant 0 : i32
      %dma_wait3A_119 = arith.constant 0 : i32
      %dma_wait3A_120 = tpu.memref_slice %arg2[%add3A, %dma_wait3A_118, %dma_wait3A_119] : memref<32x50x128xi32, #tpu.memory_space<hbm>> -> memref<1x50x128xi32, #tpu.memory_space<hbm>>
      %dma_wait3A_121 = tpu.memref_squeeze %dma_wait3A_120 : memref<1x50x128xi32, #tpu.memory_space<hbm>> -> memref<50x128xi32, #tpu.memory_space<hbm>>
      %dma_wait3A_122 = arith.constant 0 : i32
      %dma_wait3A_123 = arith.constant 0 : i32
      %dma_wait3A_124 = tpu.memref_slice %arg2[%add3A, %dma_wait3A_122, %dma_wait3A_123] : memref<32x50x128xi32, #tpu.memory_space<hbm>> -> memref<1x50x128xi32, #tpu.memory_space<hbm>>
      %dma_wait3A_125 = tpu.memref_squeeze %dma_wait3A_124 : memref<1x50x128xi32, #tpu.memory_space<hbm>> -> memref<50x128xi32, #tpu.memory_space<hbm>>
      tpu.wait_dma2 semaphore(%run_scoped3A : memref<!tpu.dma_semaphore, #tpu.memory_space<semaphore_mem>>) src(%dma_wait3A_125 : memref<50x128xi32, #tpu.memory_space<hbm>>) dst(%arg8 : memref<50x128xi32, #tpu.memory_space<vmem>>)
      tpu.yield
    }) : () -> ()
    "tpu.region"() ({
      %run_scoped3A = tpu.sem_alloc : memref<!tpu.dma_semaphore, #tpu.memory_space<semaphore_mem>>
      %dma_start3A_110 = arith.constant 0 : i32
      %dma_start3A_111 = arith.constant 0 : i32
      %dma_start3A_112 = tpu.memref_slice %arg3[%add3A, %dma_start3A_110, %dma_start3A_111] : memref<32x100x128xi32, #tpu.memory_space<hbm>> -> memref<1x100x128xi32, #tpu.memory_space<hbm>>
      %dma_start3A_113 = tpu.memref_squeeze %dma_start3A_112 : memref<1x100x128xi32, #tpu.memory_space<hbm>> -> memref<100x128xi32, #tpu.memory_space<hbm>>
      %dma_start3A_114 = arith.constant 0 : i32
      %dma_start3A_115 = arith.constant 0 : i32
      %dma_start3A_116 = tpu.memref_slice %arg3[%add3A, %dma_start3A_114, %dma_start3A_115] : memref<32x100x128xi32, #tpu.memory_space<hbm>> -> memref<1x100x128xi32, #tpu.memory_space<hbm>>
      %dma_start3A_117 = tpu.memref_squeeze %dma_start3A_116 : memref<1x100x128xi32, #tpu.memory_space<hbm>> -> memref<100x128xi32, #tpu.memory_space<hbm>>
      tpu.enqueue_dma source(%dma_start3A_117 : memref<100x128xi32, #tpu.memory_space<hbm>>) target(%arg9 : memref<100x128xi32, #tpu.memory_space<vmem>>) target_semaphore(%run_scoped3A : memref<!tpu.dma_semaphore, #tpu.memory_space<semaphore_mem>>)
      %dma_wait3A_118 = arith.constant 0 : i32
      %dma_wait3A_119 = arith.constant 0 : i32
      %dma_wait3A_120 = tpu.memref_slice %arg3[%add3A, %dma_wait3A_118, %dma_wait3A_119] : memref<32x100x128xi32, #tpu.memory_space<hbm>> -> memref<1x100x128xi32, #tpu.memory_space<hbm>>
      %dma_wait3A_121 = tpu.memref_squeeze %dma_wait3A_120 : memref<1x100x128xi32, #tpu.memory_space<hbm>> -> memref<100x128xi32, #tpu.memory_space<hbm>>
      %dma_wait3A_122 = arith.constant 0 : i32
      %dma_wait3A_123 = arith.constant 0 : i32
      %dma_wait3A_124 = tpu.memref_slice %arg3[%add3A, %dma_wait3A_122, %dma_wait3A_123] : memref<32x100x128xi32, #tpu.memory_space<hbm>> -> memref<1x100x128xi32, #tpu.memory_space<hbm>>
      %dma_wait3A_125 = tpu.memref_squeeze %dma_wait3A_124 : memref<1x100x128xi32, #tpu.memory_space<hbm>> -> memref<100x128xi32, #tpu.memory_space<hbm>>
      tpu.wait_dma2 semaphore(%run_scoped3A : memref<!tpu.dma_semaphore, #tpu.memory_space<semaphore_mem>>) src(%dma_wait3A_125 : memref<100x128xi32, #tpu.memory_space<hbm>>) dst(%arg9 : memref<100x128xi32, #tpu.memory_space<vmem>>)
      tpu.yield
    }) : () -> ()
    "tpu.region"() ({
      %run_scoped3A = tpu.sem_alloc : memref<!tpu.dma_semaphore, #tpu.memory_space<semaphore_mem>>
      tpu.enqueue_dma source(%arg6 : memref<2x128xf32, #tpu.memory_space<hbm>>) target(%arg10 : memref<2x128xf32, #tpu.memory_space<vmem>>) target_semaphore(%run_scoped3A : memref<!tpu.dma_semaphore, #tpu.memory_space<semaphore_mem>>)
      tpu.wait_dma2 semaphore(%run_scoped3A : memref<!tpu.dma_semaphore, #tpu.memory_space<semaphore_mem>>) src(%arg6 : memref<2x128xf32, #tpu.memory_space<hbm>>) dst(%arg10 : memref<2x128xf32, #tpu.memory_space<vmem>>)
      tpu.yield
    }) : () -> ()
    %barrier3A = arith.constant 0 : index
    tpu.barrier barrier_id(%barrier3A)
    %get3A = arith.constant 0 : i32
    %get3A_5 = arith.index_cast %get3A : i32 to index
    %get3A_6 = arith.constant 0 : index
    %get3A_7 = tpu.vector_load %arg10[%get3A_5, %get3A_6] {strides = array<i32>} : memref<2x128xf32, #tpu.memory_space<vmem>>, vector<16xf32>,
    %get3A_8 = arith.constant 0 : i32
    %get3A_9 = arith.index_cast %get3A_8 : i32 to index
    %get3A_10 = arith.constant 16 : index
    %get3A_11 = tpu.vector_load %arg10[%get3A_9, %get3A_10] {strides = array<i32>} : memref<2x128xf32, #tpu.memory_space<vmem>>, vector<16xf32>,
    %get3A_12 = arith.constant 0 : i32
    %get3A_13 = arith.index_cast %get3A_12 : i32 to index
    %get3A_14 = arith.constant 32 : index
    %get3A_15 = tpu.vector_load %arg10[%get3A_13, %get3A_14] {strides = array<i32>} : memref<2x128xf32, #tpu.memory_space<vmem>>, vector<16xf32>,
    %get3A_16 = arith.constant 0 : i32
    %get3A_17 = arith.index_cast %get3A_16 : i32 to index
    %get3A_18 = arith.constant 48 : index
    %get3A_19 = tpu.vector_load %arg10[%get3A_17, %get3A_18] {strides = array<i32>} : memref<2x128xf32, #tpu.memory_space<vmem>>, vector<16xf32>,
    %get3A_20 = arith.constant 0 : i32
    %get3A_21 = arith.index_cast %get3A_20 : i32 to index
    %get3A_22 = arith.constant 64 : index
    %get3A_23 = tpu.vector_load %arg10[%get3A_21, %get3A_22] {strides = array<i32>} : memref<2x128xf32, #tpu.memory_space<vmem>>, vector<16xf32>,
    %get3A_24 = arith.constant 0 : i32
    %get3A_25 = arith.index_cast %get3A_24 : i32 to index
    %get3A_26 = arith.constant 80 : index
    %get3A_27 = tpu.vector_load %arg10[%get3A_25, %get3A_26] {strides = array<i32>} : memref<2x128xf32, #tpu.memory_space<vmem>>, vector<16xf32>,
    %get3A_28 = arith.constant 0 : i32
    %get3A_29 = arith.index_cast %get3A_28 : i32 to index
    %get3A_30 = arith.constant 96 : index
    %get3A_31 = tpu.vector_load %arg10[%get3A_29, %get3A_30] {strides = array<i32>} : memref<2x128xf32, #tpu.memory_space<vmem>>, vector<16xf32>,
    %get3A_32 = arith.constant 0 : i32
    %get3A_33 = arith.index_cast %get3A_32 : i32 to index
    %get3A_34 = arith.constant 112 : index
    %get3A_35 = tpu.vector_load %arg10[%get3A_33, %get3A_34] {strides = array<i32>} : memref<2x128xf32, #tpu.memory_space<vmem>>, vector<16xf32>,
    %get3A_36 = arith.constant 1 : i32
    %get3A_37 = arith.index_cast %get3A_36 : i32 to index
    %get3A_38 = arith.constant 0 : index
    %get3A_39 = tpu.vector_load %arg10[%get3A_37, %get3A_38] {strides = array<i32>} : memref<2x128xf32, #tpu.memory_space<vmem>>, vector<16xf32>,
    %get3A_40 = arith.constant 1 : i32
    %get3A_41 = arith.index_cast %get3A_40 : i32 to index
    %get3A_42 = arith.constant 16 : index
    %get3A_43 = tpu.vector_load %arg10[%get3A_41, %get3A_42] {strides = array<i32>} : memref<2x128xf32, #tpu.memory_space<vmem>>, vector<16xf32>,
    %get3A_44 = arith.constant 1 : i32
    %get3A_45 = arith.index_cast %get3A_44 : i32 to index
    %get3A_46 = arith.constant 32 : index
    %get3A_47 = tpu.vector_load %arg10[%get3A_45, %get3A_46] {strides = array<i32>} : memref<2x128xf32, #tpu.memory_space<vmem>>, vector<16xf32>,
    %get3A_48 = arith.constant 1 : i32
    %get3A_49 = arith.index_cast %get3A_48 : i32 to index
    %get3A_50 = arith.constant 48 : index
    %get3A_51 = tpu.vector_load %arg10[%get3A_49, %get3A_50] {strides = array<i32>} : memref<2x128xf32, #tpu.memory_space<vmem>>, vector<16xf32>,
    %get3A_52 = arith.constant 1 : i32
    %get3A_53 = arith.index_cast %get3A_52 : i32 to index
    %get3A_54 = arith.constant 64 : index
    %get3A_55 = tpu.vector_load %arg10[%get3A_53, %get3A_54] {strides = array<i32>} : memref<2x128xf32, #tpu.memory_space<vmem>>, vector<16xf32>,
    %get3A_56 = arith.constant 1 : i32
    %get3A_57 = arith.index_cast %get3A_56 : i32 to index
    %get3A_58 = arith.constant 80 : index
    %get3A_59 = tpu.vector_load %arg10[%get3A_57, %get3A_58] {strides = array<i32>} : memref<2x128xf32, #tpu.memory_space<vmem>>, vector<16xf32>,
    %get3A_60 = arith.constant 1 : i32
    %get3A_61 = arith.index_cast %get3A_60 : i32 to index
    %get3A_62 = arith.constant 96 : index
    %get3A_63 = tpu.vector_load %arg10[%get3A_61, %get3A_62] {strides = array<i32>} : memref<2x128xf32, #tpu.memory_space<vmem>>, vector<16xf32>,
    %get3A_64 = arith.constant 1 : i32
    %get3A_65 = arith.index_cast %get3A_64 : i32 to index
    %get3A_66 = arith.constant 112 : index
    %get3A_67 = tpu.vector_load %arg10[%get3A_65, %get3A_66] {strides = array<i32>} : memref<2x128xf32, #tpu.memory_space<vmem>>, vector<16xf32>,
    %dma_start3A = arith.constant 0 : i32
    %dma_start3A_68 = arith.constant 0 : i32
    %dma_start3A_69 = tpu.memref_slice %arg8[%dma_start3A, %dma_start3A_68] : memref<50x128xi32, #tpu.memory_space<vmem>> -> memref<1x64xi32, #tpu.memory_space<vmem>>
    %dma_start3A_70 = tpu.memref_squeeze %dma_start3A_69 : memref<1x64xi32, #tpu.memory_space<vmem>> -> memref<64xi32, #tpu.memory_space<vmem>>
    %dma_start3A_71 = arith.constant 0 : i32
    %dma_start3A_72 = arith.constant 0 : i32
    %dma_start3A_73 = tpu.memref_slice %arg4[%dma_start3A_71, %dma_start3A_72] : memref<100000x128xf32, #tpu.memory_space<hbm>> -> memref<100000x128xf32, #tpu.memory_space<hbm>>
    tpu.enqueue_indirect_dma source(%dma_start3A_73 : memref<100000x128xf32, #tpu.memory_space<hbm>>) target(%arg11 : memref<64x128xf32, #tpu.memory_space<vmem>>) offsets(%dma_start3A_70 : memref<64xi32, #tpu.memory_space<vmem>>) semaphore(%arg18 : memref<!tpu.dma_semaphore, #tpu.memory_space<semaphore_mem>>)
    %dma_start3A_74 = arith.constant 0 : i32
    %dma_start3A_75 = arith.constant 0 : i32
    %dma_start3A_76 = tpu.memref_slice %arg9[%dma_start3A_74, %dma_start3A_75] : memref<100x128xi32, #tpu.memory_space<vmem>> -> memref<1x64xi32, #tpu.memory_space<vmem>>
    %dma_start3A_77 = tpu.memref_squeeze %dma_start3A_76 : memref<1x64xi32, #tpu.memory_space<vmem>> -> memref<64xi32, #tpu.memory_space<vmem>>
    %dma_start3A_78 = arith.constant 0 : i32
    %dma_start3A_79 = arith.constant 0 : i32
    %dma_start3A_80 = tpu.memref_slice %arg17[%dma_start3A_78, %dma_start3A_79] : memref<6024x128xf32, #tpu.memory_space<vmem_shared>> -> memref<6024x128xf32, #tpu.memory_space<vmem_shared>>
    tpu.enqueue_indirect_dma source(%dma_start3A_80 : memref<6024x128xf32, #tpu.memory_space<vmem_shared>>) target(%arg13 : memref<64x128xf32, #tpu.memory_space<vmem>>) offsets(%dma_start3A_77 : memref<64xi32, #tpu.memory_space<vmem>>) semaphore(%arg20 : memref<!tpu.dma_semaphore, #tpu.memory_space<semaphore_mem>>)
    %dma_wait3A = arith.constant 0 : i32
    %dma_wait3A_81 = arith.constant 0 : i32
    %dma_wait3A_82 = tpu.memref_slice %arg9[%dma_wait3A, %dma_wait3A_81] : memref<100x128xi32, #tpu.memory_space<vmem>> -> memref<1x64xi32, #tpu.memory_space<vmem>>
    %dma_wait3A_83 = tpu.memref_squeeze %dma_wait3A_82 : memref<1x64xi32, #tpu.memory_space<vmem>> -> memref<64xi32, #tpu.memory_space<vmem>>
    %dma_wait3A_84 = arith.constant 0 : i32
    %dma_wait3A_85 = arith.constant 0 : i32
    %dma_wait3A_86 = tpu.memref_slice %arg17[%dma_wait3A_84, %dma_wait3A_85] : memref<6024x128xf32, #tpu.memory_space<vmem_shared>> -> memref<6024x128xf32, #tpu.memory_space<vmem_shared>>
    tpu.wait_indirect_dma semaphore(%arg20 : memref<!tpu.dma_semaphore, #tpu.memory_space<semaphore_mem>>) src(%dma_wait3A_86 : memref<6024x128xf32, #tpu.memory_space<vmem_shared>>) dst(%arg13 : memref<64x128xf32, #tpu.memory_space<vmem>>)
    %dma_start3A_87 = arith.constant 0 : i32
    %dma_start3A_88 = arith.constant 64 : i32
    %dma_start3A_89 = tpu.memref_slice %arg9[%dma_start3A_87, %dma_start3A_88] : memref<100x128xi32, #tpu.memory_space<vmem>> -> memref<1x64xi32, #tpu.memory_space<vmem>>
    %dma_start3A_90 = tpu.memref_squeeze %dma_start3A_89 : memref<1x64xi32, #tpu.memory_space<vmem>> -> memref<64xi32, #tpu.memory_space<vmem>>
    %dma_start3A_91 = arith.constant 0 : i32
    %dma_start3A_92 = arith.constant 0 : i32
    %dma_start3A_93 = tpu.memref_slice %arg17[%dma_start3A_91, %dma_start3A_92] : memref<6024x128xf32, #tpu.memory_space<vmem_shared>> -> memref<6024x128xf32, #tpu.memory_space<vmem_shared>>
    tpu.enqueue_indirect_dma source(%dma_start3A_93 : memref<6024x128xf32, #tpu.memory_space<vmem_shared>>) target(%arg13 : memref<64x128xf32, #tpu.memory_space<vmem>>) offsets(%dma_start3A_90 : memref<64xi32, #tpu.memory_space<vmem>>) semaphore(%arg22 : memref<!tpu.dma_semaphore, #tpu.memory_space<semaphore_mem>>) {add = true}
    %scan3A = arith.constant 0 : i32
    %scan3A_94 = arith.constant 50 : i32
    %scan3A_95 = arith.addi %scan3A, %scan3A_94 : i32
    %scan3A_96 = arith.constant 1 : i32
    scf.for %scan3A_110 = %scan3A to %scan3A_95 step %scan3A_96  : i32 {
      %mul3A_111 = arith.constant 1 : i32
      %mul3A_112 = arith.muli %scan3A_110, %mul3A_111 : i32
      %add3A_113 = arith.constant 0 : i32
      %add3A_114 = arith.addi %add3A_113, %mul3A_112 : i32
      %mul3A_115 = arith.constant 2 : i32
      %mul3A_116 = arith.muli %add3A_114, %mul3A_115 : i32
      %add3A_117 = arith.constant 0 : i32
      %add3A_118 = arith.addi %mul3A_116, %add3A_117 : i32
      %add3A_119 = arith.constant 1 : i32
      %add3A_120 = arith.addi %add3A_118, %add3A_119 : i32
      %lt3A = arith.constant 100 : i32
      %lt3A_121 = arith.cmpi slt, %add3A_120, %lt3A : i32
      %convert_element_type3A_122 = arith.extui %lt3A_121 : i1 to i32
      %cond3A_123 = arith.constant 0 : i32
      %cond3A_124 = arith.cmpi ne, %convert_element_type3A_122, %cond3A_123 : i32
      scf.if %cond3A_124 {
        %add3A_206 = arith.constant 1 : i32
        %add3A_207 = arith.addi %add3A_118, %add3A_206 : i32
        %add3A_208 = arith.constant 0 : i32
        %add3A_209 = arith.addi %add3A_114, %add3A_208 : i32
        %dma_start3A_210 = arith.constant 64 : i32
        %dma_start3A_211 = tpu.memref_slice %arg8[%add3A_209, %dma_start3A_210] : memref<50x128xi32, #tpu.memory_space<vmem>> -> memref<1x64xi32, #tpu.memory_space<vmem>>
        %dma_start3A_212 = tpu.memref_squeeze %dma_start3A_211 : memref<1x64xi32, #tpu.memory_space<vmem>> -> memref<64xi32, #tpu.memory_space<vmem>>
        %dma_start3A_213 = arith.constant 0 : i32
        %dma_start3A_214 = arith.constant 0 : i32
        %dma_start3A_215 = tpu.memref_slice %arg4[%dma_start3A_213, %dma_start3A_214] : memref<100000x128xf32, #tpu.memory_space<hbm>> -> memref<100000x128xf32, #tpu.memory_space<hbm>>
        tpu.enqueue_indirect_dma source(%dma_start3A_215 : memref<100000x128xf32, #tpu.memory_space<hbm>>) target(%arg12 : memref<64x128xf32, #tpu.memory_space<vmem>>) offsets(%dma_start3A_212 : memref<64xi32, #tpu.memory_space<vmem>>) semaphore(%arg19 : memref<!tpu.dma_semaphore, #tpu.memory_space<semaphore_mem>>)
        %dma_start3A_216 = arith.constant 0 : i32
        %dma_start3A_217 = tpu.memref_slice %arg9[%add3A_207, %dma_start3A_216] : memref<100x128xi32, #tpu.memory_space<vmem>> -> memref<1x64xi32, #tpu.memory_space<vmem>>
        %dma_start3A_218 = tpu.memref_squeeze %dma_start3A_217 : memref<1x64xi32, #tpu.memory_space<vmem>> -> memref<64xi32, #tpu.memory_space<vmem>>
        %dma_start3A_219 = arith.constant 0 : i32
        %dma_start3A_220 = arith.constant 0 : i32
        %dma_start3A_221 = tpu.memref_slice %arg17[%dma_start3A_219, %dma_start3A_220] : memref<6024x128xf32, #tpu.memory_space<vmem_shared>> -> memref<6024x128xf32, #tpu.memory_space<vmem_shared>>
        tpu.enqueue_indirect_dma source(%dma_start3A_221 : memref<6024x128xf32, #tpu.memory_space<vmem_shared>>) target(%arg14 : memref<64x128xf32, #tpu.memory_space<vmem>>) offsets(%dma_start3A_218 : memref<64xi32, #tpu.memory_space<vmem>>) semaphore(%arg21 : memref<!tpu.dma_semaphore, #tpu.memory_space<semaphore_mem>>)
      } else {
      }
      %add3A_125 = arith.constant 0 : i32
      %add3A_126 = arith.addi %add3A_114, %add3A_125 : i32
      %dma_wait3A_127 = arith.constant 0 : i32
      %dma_wait3A_128 = tpu.memref_slice %arg8[%add3A_126, %dma_wait3A_127] : memref<50x128xi32, #tpu.memory_space<vmem>> -> memref<1x64xi32, #tpu.memory_space<vmem>>
      %dma_wait3A_129 = tpu.memref_squeeze %dma_wait3A_128 : memref<1x64xi32, #tpu.memory_space<vmem>> -> memref<64xi32, #tpu.memory_space<vmem>>
      %dma_wait3A_130 = arith.constant 0 : i32
      %dma_wait3A_131 = arith.constant 0 : i32
      %dma_wait3A_132 = tpu.memref_slice %arg4[%dma_wait3A_130, %dma_wait3A_131] : memref<100000x128xf32, #tpu.memory_space<hbm>> -> memref<100000x128xf32, #tpu.memory_space<hbm>>
      tpu.wait_indirect_dma semaphore(%arg18 : memref<!tpu.dma_semaphore, #tpu.memory_space<semaphore_mem>>) src(%dma_wait3A_132 : memref<100000x128xf32, #tpu.memory_space<hbm>>) dst(%arg11 : memref<64x128xf32, #tpu.memory_space<vmem>>)
      %dma_wait3A_133 = arith.constant 64 : i32
      %dma_wait3A_134 = tpu.memref_slice %arg9[%add3A_118, %dma_wait3A_133] : memref<100x128xi32, #tpu.memory_space<vmem>> -> memref<1x64xi32, #tpu.memory_space<vmem>>
      %dma_wait3A_135 = tpu.memref_squeeze %dma_wait3A_134 : memref<1x64xi32, #tpu.memory_space<vmem>> -> memref<64xi32, #tpu.memory_space<vmem>>
      %dma_wait3A_136 = arith.constant 0 : i32
      %dma_wait3A_137 = arith.constant 0 : i32
      %dma_wait3A_138 = tpu.memref_slice %arg17[%dma_wait3A_136, %dma_wait3A_137] : memref<6024x128xf32, #tpu.memory_space<vmem_shared>> -> memref<6024x128xf32, #tpu.memory_space<vmem_shared>>
      tpu.wait_indirect_dma semaphore(%arg22 : memref<!tpu.dma_semaphore, #tpu.memory_space<semaphore_mem>>) src(%dma_wait3A_138 : memref<6024x128xf32, #tpu.memory_space<vmem_shared>>) dst(%arg13 : memref<64x128xf32, #tpu.memory_space<vmem>>)
      %add3A_139 = arith.constant 1 : i32
      %add3A_140 = arith.addi %add3A_118, %add3A_139 : i32
      %lt3A_141 = arith.constant 100 : i32
      %lt3A_142 = arith.cmpi slt, %add3A_140, %lt3A_141 : i32
      %convert_element_type3A_143 = arith.extui %lt3A_142 : i1 to i32
      %cond3A_144 = arith.constant 0 : i32
      %cond3A_145 = arith.cmpi ne, %convert_element_type3A_143, %cond3A_144 : i32
      scf.if %cond3A_145 {
        %add3A_206 = arith.constant 1 : i32
        %add3A_207 = arith.addi %add3A_118, %add3A_206 : i32
        %dma_wait3A_208 = arith.constant 0 : i32
        %dma_wait3A_209 = tpu.memref_slice %arg9[%add3A_207, %dma_wait3A_208] : memref<100x128xi32, #tpu.memory_space<vmem>> -> memref<1x64xi32, #tpu.memory_space<vmem>>
        %dma_wait3A_210 = tpu.memref_squeeze %dma_wait3A_209 : memref<1x64xi32, #tpu.memory_space<vmem>> -> memref<64xi32, #tpu.memory_space<vmem>>
        %dma_wait3A_211 = arith.constant 0 : i32
        %dma_wait3A_212 = arith.constant 0 : i32
        %dma_wait3A_213 = tpu.memref_slice %arg17[%dma_wait3A_211, %dma_wait3A_212] : memref<6024x128xf32, #tpu.memory_space<vmem_shared>> -> memref<6024x128xf32, #tpu.memory_space<vmem_shared>>
        tpu.wait_indirect_dma semaphore(%arg21 : memref<!tpu.dma_semaphore, #tpu.memory_space<semaphore_mem>>) src(%dma_wait3A_213 : memref<6024x128xf32, #tpu.memory_space<vmem_shared>>) dst(%arg14 : memref<64x128xf32, #tpu.memory_space<vmem>>)
        %dma_start3A_214 = arith.constant 64 : i32
        %dma_start3A_215 = tpu.memref_slice %arg9[%add3A_207, %dma_start3A_214] : memref<100x128xi32, #tpu.memory_space<vmem>> -> memref<1x64xi32, #tpu.memory_space<vmem>>
        %dma_start3A_216 = tpu.memref_squeeze %dma_start3A_215 : memref<1x64xi32, #tpu.memory_space<vmem>> -> memref<64xi32, #tpu.memory_space<vmem>>
        %dma_start3A_217 = arith.constant 0 : i32
        %dma_start3A_218 = arith.constant 0 : i32
        %dma_start3A_219 = tpu.memref_slice %arg17[%dma_start3A_217, %dma_start3A_218] : memref<6024x128xf32, #tpu.memory_space<vmem_shared>> -> memref<6024x128xf32, #tpu.memory_space<vmem_shared>>
        tpu.enqueue_indirect_dma source(%dma_start3A_219 : memref<6024x128xf32, #tpu.memory_space<vmem_shared>>) target(%arg14 : memref<64x128xf32, #tpu.memory_space<vmem>>) offsets(%dma_start3A_216 : memref<64xi32, #tpu.memory_space<vmem>>) semaphore(%arg23 : memref<!tpu.dma_semaphore, #tpu.memory_space<semaphore_mem>>) {add = true}
      } else {
      }
      %ge3A = arith.constant 2 : i32
      %ge3A_146 = arith.cmpi sge, %add3A_118, %ge3A : i32
      %convert_element_type3A_147 = arith.extui %ge3A_146 : i1 to i32
      %cond3A_148 = arith.constant 0 : i32
      %cond3A_149 = arith.cmpi ne, %convert_element_type3A_147, %cond3A_148 : i32
      scf.if %cond3A_149 {
        %sub3A = arith.constant 2 : i32
        %sub3A_206 = arith.subi %add3A_118, %sub3A : i32
        %mul3A_207 = arith.constant 64 : i32
        %mul3A_208 = arith.muli %sub3A_206, %mul3A_207 : i32
        %add3A_209 = arith.addi %mul3A_2, %mul3A_208 : i32
        %dma_wait3A_210 = arith.constant 0 : i32
        %dma_wait3A_211 = tpu.memref_slice %arg7[%add3A_209, %dma_wait3A_210] : memref<204800x128xf32, #tpu.memory_space<hbm>> -> memref<64x128xf32, #tpu.memory_space<hbm>>
        %dma_wait3A_212 = arith.constant 0 : i32
        %dma_wait3A_213 = tpu.memref_slice %arg7[%add3A_209, %dma_wait3A_212] : memref<204800x128xf32, #tpu.memory_space<hbm>> -> memref<64x128xf32, #tpu.memory_space<hbm>>
        tpu.wait_dma2 semaphore(%arg24 : memref<!tpu.dma_semaphore, #tpu.memory_space<semaphore_mem>>) src(%arg15 : memref<64x128xf32, #tpu.memory_space<vmem>>) dst(%dma_wait3A_213 : memref<64x128xf32, #tpu.memory_space<hbm>>)
      } else {
      }
      %parallel_loop3A = arith.constant 0 : i32
      %parallel_loop3A_150 = arith.constant 64 : i32
      %parallel_loop3A_151 = arith.constant 1 : i32
      scf.for %parallel_loop3A_206 = %parallel_loop3A to %parallel_loop3A_150 step %parallel_loop3A_151  : i32 {
        %parallel_loop3A_207 = arith.index_cast %parallel_loop3A_206 : i32 to index
        %parallel_loop3A_208 = arith.constant 0 : index
        %parallel_loop3A_209 = tpu.vector_load %arg11[%parallel_loop3A_207, %parallel_loop3A_208] {strides = array<i32>} : memref<64x128xf32, #tpu.memory_space<vmem>>, vector<16xf32>,
        %parallel_loop3A_210 = arith.index_cast %parallel_loop3A_206 : i32 to index
        %parallel_loop3A_211 = arith.constant 0 : index
        %parallel_loop3A_212 = tpu.vector_load %arg13[%parallel_loop3A_210, %parallel_loop3A_211] {strides = array<i32>} : memref<64x128xf32, #tpu.memory_space<vmem>>, vector<16xf32>,
        %parallel_loop3A_213 = arith.addf %parallel_loop3A_209, %parallel_loop3A_212 : vector<16xf32>
        %parallel_loop3A_214 = arith.index_cast %parallel_loop3A_206 : i32 to index
        %parallel_loop3A_215 = arith.constant 16 : index
        %parallel_loop3A_216 = tpu.vector_load %arg11[%parallel_loop3A_214, %parallel_loop3A_215] {strides = array<i32>} : memref<64x128xf32, #tpu.memory_space<vmem>>, vector<16xf32>,
        %parallel_loop3A_217 = arith.index_cast %parallel_loop3A_206 : i32 to index
        %parallel_loop3A_218 = arith.constant 16 : index
        %parallel_loop3A_219 = tpu.vector_load %arg13[%parallel_loop3A_217, %parallel_loop3A_218] {strides = array<i32>} : memref<64x128xf32, #tpu.memory_space<vmem>>, vector<16xf32>,
        %parallel_loop3A_220 = arith.addf %parallel_loop3A_216, %parallel_loop3A_219 : vector<16xf32>
        %parallel_loop3A_221 = arith.index_cast %parallel_loop3A_206 : i32 to index
        %parallel_loop3A_222 = arith.constant 32 : index
        %parallel_loop3A_223 = tpu.vector_load %arg11[%parallel_loop3A_221, %parallel_loop3A_222] {strides = array<i32>} : memref<64x128xf32, #tpu.memory_space<vmem>>, vector<16xf32>,
        %parallel_loop3A_224 = arith.index_cast %parallel_loop3A_206 : i32 to index
        %parallel_loop3A_225 = arith.constant 32 : index
        %parallel_loop3A_226 = tpu.vector_load %arg13[%parallel_loop3A_224, %parallel_loop3A_225] {strides = array<i32>} : memref<64x128xf32, #tpu.memory_space<vmem>>, vector<16xf32>,
        %parallel_loop3A_227 = arith.addf %parallel_loop3A_223, %parallel_loop3A_226 : vector<16xf32>
        %parallel_loop3A_228 = arith.index_cast %parallel_loop3A_206 : i32 to index
        %parallel_loop3A_229 = arith.constant 48 : index
        %parallel_loop3A_230 = tpu.vector_load %arg11[%parallel_loop3A_228, %parallel_loop3A_229] {strides = array<i32>} : memref<64x128xf32, #tpu.memory_space<vmem>>, vector<16xf32>,
        %parallel_loop3A_231 = arith.index_cast %parallel_loop3A_206 : i32 to index
        %parallel_loop3A_232 = arith.constant 48 : index
        %parallel_loop3A_233 = tpu.vector_load %arg13[%parallel_loop3A_231, %parallel_loop3A_232] {strides = array<i32>} : memref<64x128xf32, #tpu.memory_space<vmem>>, vector<16xf32>,
        %parallel_loop3A_234 = arith.addf %parallel_loop3A_230, %parallel_loop3A_233 : vector<16xf32>
        %parallel_loop3A_235 = arith.index_cast %parallel_loop3A_206 : i32 to index
        %parallel_loop3A_236 = arith.constant 64 : index
        %parallel_loop3A_237 = tpu.vector_load %arg11[%parallel_loop3A_235, %parallel_loop3A_236] {strides = array<i32>} : memref<64x128xf32, #tpu.memory_space<vmem>>, vector<16xf32>,
        %parallel_loop3A_238 = arith.index_cast %parallel_loop3A_206 : i32 to index
        %parallel_loop3A_239 = arith.constant 64 : index
        %parallel_loop3A_240 = tpu.vector_load %arg13[%parallel_loop3A_238, %parallel_loop3A_239] {strides = array<i32>} : memref<64x128xf32, #tpu.memory_space<vmem>>, vector<16xf32>,
        %parallel_loop3A_241 = arith.addf %parallel_loop3A_237, %parallel_loop3A_240 : vector<16xf32>
        %parallel_loop3A_242 = arith.index_cast %parallel_loop3A_206 : i32 to index
        %parallel_loop3A_243 = arith.constant 80 : index
        %parallel_loop3A_244 = tpu.vector_load %arg11[%parallel_loop3A_242, %parallel_loop3A_243] {strides = array<i32>} : memref<64x128xf32, #tpu.memory_space<vmem>>, vector<16xf32>,
        %parallel_loop3A_245 = arith.index_cast %parallel_loop3A_206 : i32 to index
        %parallel_loop3A_246 = arith.constant 80 : index
        %parallel_loop3A_247 = tpu.vector_load %arg13[%parallel_loop3A_245, %parallel_loop3A_246] {strides = array<i32>} : memref<64x128xf32, #tpu.memory_space<vmem>>, vector<16xf32>,
        %parallel_loop3A_248 = arith.addf %parallel_loop3A_244, %parallel_loop3A_247 : vector<16xf32>
        %parallel_loop3A_249 = arith.index_cast %parallel_loop3A_206 : i32 to index
        %parallel_loop3A_250 = arith.constant 96 : index
        %parallel_loop3A_251 = tpu.vector_load %arg11[%parallel_loop3A_249, %parallel_loop3A_250] {strides = array<i32>} : memref<64x128xf32, #tpu.memory_space<vmem>>, vector<16xf32>,
        %parallel_loop3A_252 = arith.index_cast %parallel_loop3A_206 : i32 to index
        %parallel_loop3A_253 = arith.constant 96 : index
        %parallel_loop3A_254 = tpu.vector_load %arg13[%parallel_loop3A_252, %parallel_loop3A_253] {strides = array<i32>} : memref<64x128xf32, #tpu.memory_space<vmem>>, vector<16xf32>,
        %parallel_loop3A_255 = arith.addf %parallel_loop3A_251, %parallel_loop3A_254 : vector<16xf32>
        %parallel_loop3A_256 = arith.index_cast %parallel_loop3A_206 : i32 to index
        %parallel_loop3A_257 = arith.constant 112 : index
        %parallel_loop3A_258 = tpu.vector_load %arg11[%parallel_loop3A_256, %parallel_loop3A_257] {strides = array<i32>} : memref<64x128xf32, #tpu.memory_space<vmem>>, vector<16xf32>,
        %parallel_loop3A_259 = arith.index_cast %parallel_loop3A_206 : i32 to index
        %parallel_loop3A_260 = arith.constant 112 : index
        %parallel_loop3A_261 = tpu.vector_load %arg13[%parallel_loop3A_259, %parallel_loop3A_260] {strides = array<i32>} : memref<64x128xf32, #tpu.memory_space<vmem>>, vector<16xf32>,
        %parallel_loop3A_262 = arith.addf %parallel_loop3A_258, %parallel_loop3A_261 : vector<16xf32>
        %parallel_loop3A_263 = arith.mulf %parallel_loop3A_213, %parallel_loop3A_213 : vector<16xf32>
        %parallel_loop3A_264 = arith.addf %parallel_loop3A_213, %parallel_loop3A_220 : vector<16xf32>
        %parallel_loop3A_265 = arith.mulf %parallel_loop3A_220, %parallel_loop3A_220 : vector<16xf32>
        %parallel_loop3A_266 = arith.addf %parallel_loop3A_263, %parallel_loop3A_265 : vector<16xf32>
        %parallel_loop3A_267 = arith.addf %parallel_loop3A_264, %parallel_loop3A_227 : vector<16xf32>
        %parallel_loop3A_268 = arith.mulf %parallel_loop3A_227, %parallel_loop3A_227 : vector<16xf32>
        %parallel_loop3A_269 = arith.addf %parallel_loop3A_266, %parallel_loop3A_268 : vector<16xf32>
        %parallel_loop3A_270 = arith.addf %parallel_loop3A_267, %parallel_loop3A_234 : vector<16xf32>
        %parallel_loop3A_271 = arith.mulf %parallel_loop3A_234, %parallel_loop3A_234 : vector<16xf32>
        %parallel_loop3A_272 = arith.addf %parallel_loop3A_269, %parallel_loop3A_271 : vector<16xf32>
        %parallel_loop3A_273 = arith.addf %parallel_loop3A_270, %parallel_loop3A_241 : vector<16xf32>
        %parallel_loop3A_274 = arith.mulf %parallel_loop3A_241, %parallel_loop3A_241 : vector<16xf32>
        %parallel_loop3A_275 = arith.addf %parallel_loop3A_272, %parallel_loop3A_274 : vector<16xf32>
        %parallel_loop3A_276 = arith.addf %parallel_loop3A_273, %parallel_loop3A_248 : vector<16xf32>
        %parallel_loop3A_277 = arith.mulf %parallel_loop3A_248, %parallel_loop3A_248 : vector<16xf32>
        %parallel_loop3A_278 = arith.addf %parallel_loop3A_275, %parallel_loop3A_277 : vector<16xf32>
        %parallel_loop3A_279 = arith.addf %parallel_loop3A_276, %parallel_loop3A_255 : vector<16xf32>
        %parallel_loop3A_280 = arith.mulf %parallel_loop3A_255, %parallel_loop3A_255 : vector<16xf32>
        %parallel_loop3A_281 = arith.addf %parallel_loop3A_278, %parallel_loop3A_280 : vector<16xf32>
        %parallel_loop3A_282 = arith.addf %parallel_loop3A_279, %parallel_loop3A_262 : vector<16xf32>
        %parallel_loop3A_283 = arith.mulf %parallel_loop3A_262, %parallel_loop3A_262 : vector<16xf32>
        %parallel_loop3A_284 = arith.addf %parallel_loop3A_281, %parallel_loop3A_283 : vector<16xf32>
        %parallel_loop3A_285 = tpu.iota {dimensions = array<i32: 0>} : vector<16xi32>
        %parallel_loop3A_286 = arith.constant 8 : i32
        %parallel_loop3A_287 = vector.broadcast %parallel_loop3A_286 : i32 to vector<16xi32>
        %parallel_loop3A_288 = arith.xori %parallel_loop3A_285, %parallel_loop3A_287 : vector<16xi32>
        %parallel_loop3A_289 = vector.shape_cast %parallel_loop3A_288 : vector<16xi32> to vector<16x1xi32>
        %parallel_loop3A_290 = vector.shape_cast %parallel_loop3A_289 : vector<16x1xi32> to vector<16xi32>
        %parallel_loop3A_291 = tpu.dynamic_gather %parallel_loop3A_282[%parallel_loop3A_290] in [0] : vector<16xf32>, vector<16xi32> -> vector<16xf32>
        %parallel_loop3A_292 = arith.addf %parallel_loop3A_282, %parallel_loop3A_291 : vector<16xf32>
        %parallel_loop3A_293 = arith.constant 4 : i32
        %parallel_loop3A_294 = vector.broadcast %parallel_loop3A_293 : i32 to vector<16xi32>
        %parallel_loop3A_295 = arith.xori %parallel_loop3A_285, %parallel_loop3A_294 : vector<16xi32>
        %parallel_loop3A_296 = vector.shape_cast %parallel_loop3A_295 : vector<16xi32> to vector<16x1xi32>
        %parallel_loop3A_297 = vector.shape_cast %parallel_loop3A_296 : vector<16x1xi32> to vector<16xi32>
        %parallel_loop3A_298 = tpu.dynamic_gather %parallel_loop3A_292[%parallel_loop3A_297] in [0] : vector<16xf32>, vector<16xi32> -> vector<16xf32>
        %parallel_loop3A_299 = arith.addf %parallel_loop3A_292, %parallel_loop3A_298 : vector<16xf32>
        %parallel_loop3A_300 = arith.constant 2 : i32
        %parallel_loop3A_301 = vector.broadcast %parallel_loop3A_300 : i32 to vector<16xi32>
        %parallel_loop3A_302 = arith.xori %parallel_loop3A_285, %parallel_loop3A_301 : vector<16xi32>
        %parallel_loop3A_303 = vector.shape_cast %parallel_loop3A_302 : vector<16xi32> to vector<16x1xi32>
        %parallel_loop3A_304 = vector.shape_cast %parallel_loop3A_303 : vector<16x1xi32> to vector<16xi32>
        %parallel_loop3A_305 = tpu.dynamic_gather %parallel_loop3A_299[%parallel_loop3A_304] in [0] : vector<16xf32>, vector<16xi32> -> vector<16xf32>
        %parallel_loop3A_306 = arith.addf %parallel_loop3A_299, %parallel_loop3A_305 : vector<16xf32>
        %parallel_loop3A_307 = arith.constant 1 : i32
        %parallel_loop3A_308 = vector.broadcast %parallel_loop3A_307 : i32 to vector<16xi32>
        %parallel_loop3A_309 = arith.xori %parallel_loop3A_285, %parallel_loop3A_308 : vector<16xi32>
        %parallel_loop3A_310 = vector.shape_cast %parallel_loop3A_309 : vector<16xi32> to vector<16x1xi32>
        %parallel_loop3A_311 = vector.shape_cast %parallel_loop3A_310 : vector<16x1xi32> to vector<16xi32>
        %parallel_loop3A_312 = tpu.dynamic_gather %parallel_loop3A_306[%parallel_loop3A_311] in [0] : vector<16xf32>, vector<16xi32> -> vector<16xf32>
        %parallel_loop3A_313 = arith.addf %parallel_loop3A_306, %parallel_loop3A_312 : vector<16xf32>
        %parallel_loop3A_314 = tpu.iota {dimensions = array<i32: 0>} : vector<16xi32>
        %parallel_loop3A_315 = arith.constant 8 : i32
        %parallel_loop3A_316 = vector.broadcast %parallel_loop3A_315 : i32 to vector<16xi32>
        %parallel_loop3A_317 = arith.xori %parallel_loop3A_314, %parallel_loop3A_316 : vector<16xi32>
        %parallel_loop3A_318 = vector.shape_cast %parallel_loop3A_317 : vector<16xi32> to vector<16x1xi32>
        %parallel_loop3A_319 = vector.shape_cast %parallel_loop3A_318 : vector<16x1xi32> to vector<16xi32>
        %parallel_loop3A_320 = tpu.dynamic_gather %parallel_loop3A_284[%parallel_loop3A_319] in [0] : vector<16xf32>, vector<16xi32> -> vector<16xf32>
        %parallel_loop3A_321 = arith.addf %parallel_loop3A_284, %parallel_loop3A_320 : vector<16xf32>
        %parallel_loop3A_322 = arith.constant 4 : i32
        %parallel_loop3A_323 = vector.broadcast %parallel_loop3A_322 : i32 to vector<16xi32>
        %parallel_loop3A_324 = arith.xori %parallel_loop3A_314, %parallel_loop3A_323 : vector<16xi32>
        %parallel_loop3A_325 = vector.shape_cast %parallel_loop3A_324 : vector<16xi32> to vector<16x1xi32>
        %parallel_loop3A_326 = vector.shape_cast %parallel_loop3A_325 : vector<16x1xi32> to vector<16xi32>
        %parallel_loop3A_327 = tpu.dynamic_gather %parallel_loop3A_321[%parallel_loop3A_326] in [0] : vector<16xf32>, vector<16xi32> -> vector<16xf32>
        %parallel_loop3A_328 = arith.addf %parallel_loop3A_321, %parallel_loop3A_327 : vector<16xf32>
        %parallel_loop3A_329 = arith.constant 2 : i32
        %parallel_loop3A_330 = vector.broadcast %parallel_loop3A_329 : i32 to vector<16xi32>
        %parallel_loop3A_331 = arith.xori %parallel_loop3A_314, %parallel_loop3A_330 : vector<16xi32>
        %parallel_loop3A_332 = vector.shape_cast %parallel_loop3A_331 : vector<16xi32> to vector<16x1xi32>
        %parallel_loop3A_333 = vector.shape_cast %parallel_loop3A_332 : vector<16x1xi32> to vector<16xi32>
        %parallel_loop3A_334 = tpu.dynamic_gather %parallel_loop3A_328[%parallel_loop3A_333] in [0] : vector<16xf32>, vector<16xi32> -> vector<16xf32>
        %parallel_loop3A_335 = arith.addf %parallel_loop3A_328, %parallel_loop3A_334 : vector<16xf32>
        %parallel_loop3A_336 = arith.constant 1 : i32
        %parallel_loop3A_337 = vector.broadcast %parallel_loop3A_336 : i32 to vector<16xi32>
        %parallel_loop3A_338 = arith.xori %parallel_loop3A_314, %parallel_loop3A_337 : vector<16xi32>
        %parallel_loop3A_339 = vector.shape_cast %parallel_loop3A_338 : vector<16xi32> to vector<16x1xi32>
        %parallel_loop3A_340 = vector.shape_cast %parallel_loop3A_339 : vector<16x1xi32> to vector<16xi32>
        %parallel_loop3A_341 = tpu.dynamic_gather %parallel_loop3A_335[%parallel_loop3A_340] in [0] : vector<16xf32>, vector<16xi32> -> vector<16xf32>
        %parallel_loop3A_342 = arith.addf %parallel_loop3A_335, %parallel_loop3A_341 : vector<16xf32>
        %parallel_loop3A_343 = arith.constant 7.812500e-03 : f32
        %parallel_loop3A_344 = vector.broadcast %parallel_loop3A_343 : f32 to vector<16xf32>
        %parallel_loop3A_345 = arith.mulf %parallel_loop3A_313, %parallel_loop3A_344 : vector<16xf32>
        %parallel_loop3A_346 = arith.constant 7.812500e-03 : f32
        %parallel_loop3A_347 = vector.broadcast %parallel_loop3A_346 : f32 to vector<16xf32>
        %parallel_loop3A_348 = arith.mulf %parallel_loop3A_342, %parallel_loop3A_347 : vector<16xf32>
        %parallel_loop3A_349 = arith.mulf %parallel_loop3A_345, %parallel_loop3A_345 : vector<16xf32>
        %parallel_loop3A_350 = arith.subf %parallel_loop3A_348, %parallel_loop3A_349 : vector<16xf32>
        %parallel_loop3A_351 = arith.constant 0.000000e+00 : f32
        %parallel_loop3A_352 = vector.broadcast %parallel_loop3A_351 : f32 to vector<16xf32>
        %parallel_loop3A_353 = arith.maximumf %parallel_loop3A_350, %parallel_loop3A_352 : vector<16xf32>
        %parallel_loop3A_354 = arith.constant 9.99999996E-13 : f32
        %parallel_loop3A_355 = vector.broadcast %parallel_loop3A_354 : f32 to vector<16xf32>
        %parallel_loop3A_356 = arith.addf %parallel_loop3A_353, %parallel_loop3A_355 : vector<16xf32>
        %parallel_loop3A_357 = vector.bitcast %parallel_loop3A_356 : vector<16xf32> to vector<16xi32>
        %parallel_loop3A_358 = arith.constant 1 : i32
        %parallel_loop3A_359 = vector.broadcast %parallel_loop3A_358 : i32 to vector<16xi32>
        %parallel_loop3A_360 = arith.shrsi %parallel_loop3A_357, %parallel_loop3A_359 : vector<16xi32>
        %parallel_loop3A_361 = arith.constant 1597463007 : i32
        %parallel_loop3A_362 = vector.broadcast %parallel_loop3A_361 : i32 to vector<16xi32>
        %parallel_loop3A_363 = arith.subi %parallel_loop3A_362, %parallel_loop3A_360 : vector<16xi32>
        %parallel_loop3A_364 = vector.bitcast %parallel_loop3A_363 : vector<16xi32> to vector<16xf32>
        %parallel_loop3A_365 = arith.constant 5.000000e-01 : f32
        %parallel_loop3A_366 = vector.broadcast %parallel_loop3A_365 : f32 to vector<16xf32>
        %parallel_loop3A_367 = arith.mulf %parallel_loop3A_356, %parallel_loop3A_366 : vector<16xf32>
        %parallel_loop3A_368 = arith.mulf %parallel_loop3A_367, %parallel_loop3A_364 : vector<16xf32>
        %parallel_loop3A_369 = arith.mulf %parallel_loop3A_368, %parallel_loop3A_364 : vector<16xf32>
        %parallel_loop3A_370 = arith.constant 1.500000e+00 : f32
        %parallel_loop3A_371 = vector.broadcast %parallel_loop3A_370 : f32 to vector<16xf32>
        %parallel_loop3A_372 = arith.subf %parallel_loop3A_371, %parallel_loop3A_369 : vector<16xf32>
        %parallel_loop3A_373 = arith.mulf %parallel_loop3A_364, %parallel_loop3A_372 : vector<16xf32>
        %parallel_loop3A_374 = arith.mulf %parallel_loop3A_367, %parallel_loop3A_373 : vector<16xf32>
        %parallel_loop3A_375 = arith.mulf %parallel_loop3A_374, %parallel_loop3A_373 : vector<16xf32>
        %parallel_loop3A_376 = arith.constant 1.500000e+00 : f32
        %parallel_loop3A_377 = vector.broadcast %parallel_loop3A_376 : f32 to vector<16xf32>
        %parallel_loop3A_378 = arith.subf %parallel_loop3A_377, %parallel_loop3A_375 : vector<16xf32>
        %parallel_loop3A_379 = arith.mulf %parallel_loop3A_373, %parallel_loop3A_378 : vector<16xf32>
        %parallel_loop3A_380 = arith.mulf %parallel_loop3A_367, %parallel_loop3A_379 : vector<16xf32>
        %parallel_loop3A_381 = arith.mulf %parallel_loop3A_380, %parallel_loop3A_379 : vector<16xf32>
        %parallel_loop3A_382 = arith.constant 1.500000e+00 : f32
        %parallel_loop3A_383 = vector.broadcast %parallel_loop3A_382 : f32 to vector<16xf32>
        %parallel_loop3A_384 = arith.subf %parallel_loop3A_383, %parallel_loop3A_381 : vector<16xf32>
        %parallel_loop3A_385 = arith.mulf %parallel_loop3A_379, %parallel_loop3A_384 : vector<16xf32>
        %parallel_loop3A_386 = arith.subf %parallel_loop3A_213, %parallel_loop3A_345 : vector<16xf32>
        %parallel_loop3A_387 = arith.mulf %parallel_loop3A_386, %parallel_loop3A_385 : vector<16xf32>
        %parallel_loop3A_388 = arith.mulf %parallel_loop3A_387, %get3A_7 : vector<16xf32>
        %parallel_loop3A_389 = arith.addf %parallel_loop3A_388, %get3A_39 : vector<16xf32>
        %parallel_loop3A_390 = arith.index_cast %parallel_loop3A_206 : i32 to index
        %parallel_loop3A_391 = arith.constant 0 : index
        %parallel_loop3A_392 = tpu.vector_load %arg15[%parallel_loop3A_390, %parallel_loop3A_391] {strides = array<i32>} : memref<64x128xf32, #tpu.memory_space<vmem>>, vector<16xf32>,
        tpu.vector_store %arg15[%parallel_loop3A_390, %parallel_loop3A_391], %parallel_loop3A_389 {strides = array<i32>} : memref<64x128xf32, #tpu.memory_space<vmem>>, vector<16xf32>,
        %parallel_loop3A_393 = arith.subf %parallel_loop3A_220, %parallel_loop3A_345 : vector<16xf32>
        %parallel_loop3A_394 = arith.mulf %parallel_loop3A_393, %parallel_loop3A_385 : vector<16xf32>
        %parallel_loop3A_395 = arith.mulf %parallel_loop3A_394, %get3A_11 : vector<16xf32>
        %parallel_loop3A_396 = arith.addf %parallel_loop3A_395, %get3A_43 : vector<16xf32>
        %parallel_loop3A_397 = arith.index_cast %parallel_loop3A_206 : i32 to index
        %parallel_loop3A_398 = arith.constant 16 : index
        %parallel_loop3A_399 = tpu.vector_load %arg15[%parallel_loop3A_397, %parallel_loop3A_398] {strides = array<i32>} : memref<64x128xf32, #tpu.memory_space<vmem>>, vector<16xf32>,
        tpu.vector_store %arg15[%parallel_loop3A_397, %parallel_loop3A_398], %parallel_loop3A_396 {strides = array<i32>} : memref<64x128xf32, #tpu.memory_space<vmem>>, vector<16xf32>,
        %parallel_loop3A_400 = arith.subf %parallel_loop3A_227, %parallel_loop3A_345 : vector<16xf32>
        %parallel_loop3A_401 = arith.mulf %parallel_loop3A_400, %parallel_loop3A_385 : vector<16xf32>
        %parallel_loop3A_402 = arith.mulf %parallel_loop3A_401, %get3A_15 : vector<16xf32>
        %parallel_loop3A_403 = arith.addf %parallel_loop3A_402, %get3A_47 : vector<16xf32>
        %parallel_loop3A_404 = arith.index_cast %parallel_loop3A_206 : i32 to index
        %parallel_loop3A_405 = arith.constant 32 : index
        %parallel_loop3A_406 = tpu.vector_load %arg15[%parallel_loop3A_404, %parallel_loop3A_405] {strides = array<i32>} : memref<64x128xf32, #tpu.memory_space<vmem>>, vector<16xf32>,
        tpu.vector_store %arg15[%parallel_loop3A_404, %parallel_loop3A_405], %parallel_loop3A_403 {strides = array<i32>} : memref<64x128xf32, #tpu.memory_space<vmem>>, vector<16xf32>,
        %parallel_loop3A_407 = arith.subf %parallel_loop3A_234, %parallel_loop3A_345 : vector<16xf32>
        %parallel_loop3A_408 = arith.mulf %parallel_loop3A_407, %parallel_loop3A_385 : vector<16xf32>
        %parallel_loop3A_409 = arith.mulf %parallel_loop3A_408, %get3A_19 : vector<16xf32>
        %parallel_loop3A_410 = arith.addf %parallel_loop3A_409, %get3A_51 : vector<16xf32>
        %parallel_loop3A_411 = arith.index_cast %parallel_loop3A_206 : i32 to index
        %parallel_loop3A_412 = arith.constant 48 : index
        %parallel_loop3A_413 = tpu.vector_load %arg15[%parallel_loop3A_411, %parallel_loop3A_412] {strides = array<i32>} : memref<64x128xf32, #tpu.memory_space<vmem>>, vector<16xf32>,
        tpu.vector_store %arg15[%parallel_loop3A_411, %parallel_loop3A_412], %parallel_loop3A_410 {strides = array<i32>} : memref<64x128xf32, #tpu.memory_space<vmem>>, vector<16xf32>,
        %parallel_loop3A_414 = arith.subf %parallel_loop3A_241, %parallel_loop3A_345 : vector<16xf32>
        %parallel_loop3A_415 = arith.mulf %parallel_loop3A_414, %parallel_loop3A_385 : vector<16xf32>
        %parallel_loop3A_416 = arith.mulf %parallel_loop3A_415, %get3A_23 : vector<16xf32>
        %parallel_loop3A_417 = arith.addf %parallel_loop3A_416, %get3A_55 : vector<16xf32>
        %parallel_loop3A_418 = arith.index_cast %parallel_loop3A_206 : i32 to index
        %parallel_loop3A_419 = arith.constant 64 : index
        %parallel_loop3A_420 = tpu.vector_load %arg15[%parallel_loop3A_418, %parallel_loop3A_419] {strides = array<i32>} : memref<64x128xf32, #tpu.memory_space<vmem>>, vector<16xf32>,
        tpu.vector_store %arg15[%parallel_loop3A_418, %parallel_loop3A_419], %parallel_loop3A_417 {strides = array<i32>} : memref<64x128xf32, #tpu.memory_space<vmem>>, vector<16xf32>,
        %parallel_loop3A_421 = arith.subf %parallel_loop3A_248, %parallel_loop3A_345 : vector<16xf32>
        %parallel_loop3A_422 = arith.mulf %parallel_loop3A_421, %parallel_loop3A_385 : vector<16xf32>
        %parallel_loop3A_423 = arith.mulf %parallel_loop3A_422, %get3A_27 : vector<16xf32>
        %parallel_loop3A_424 = arith.addf %parallel_loop3A_423, %get3A_59 : vector<16xf32>
        %parallel_loop3A_425 = arith.index_cast %parallel_loop3A_206 : i32 to index
        %parallel_loop3A_426 = arith.constant 80 : index
        %parallel_loop3A_427 = tpu.vector_load %arg15[%parallel_loop3A_425, %parallel_loop3A_426] {strides = array<i32>} : memref<64x128xf32, #tpu.memory_space<vmem>>, vector<16xf32>,
        tpu.vector_store %arg15[%parallel_loop3A_425, %parallel_loop3A_426], %parallel_loop3A_424 {strides = array<i32>} : memref<64x128xf32, #tpu.memory_space<vmem>>, vector<16xf32>,
        %parallel_loop3A_428 = arith.subf %parallel_loop3A_255, %parallel_loop3A_345 : vector<16xf32>
        %parallel_loop3A_429 = arith.mulf %parallel_loop3A_428, %parallel_loop3A_385 : vector<16xf32>
        %parallel_loop3A_430 = arith.mulf %parallel_loop3A_429, %get3A_31 : vector<16xf32>
        %parallel_loop3A_431 = arith.addf %parallel_loop3A_430, %get3A_63 : vector<16xf32>
        %parallel_loop3A_432 = arith.index_cast %parallel_loop3A_206 : i32 to index
        %parallel_loop3A_433 = arith.constant 96 : index
        %parallel_loop3A_434 = tpu.vector_load %arg15[%parallel_loop3A_432, %parallel_loop3A_433] {strides = array<i32>} : memref<64x128xf32, #tpu.memory_space<vmem>>, vector<16xf32>,
        tpu.vector_store %arg15[%parallel_loop3A_432, %parallel_loop3A_433], %parallel_loop3A_431 {strides = array<i32>} : memref<64x128xf32, #tpu.memory_space<vmem>>, vector<16xf32>,
        %parallel_loop3A_435 = arith.subf %parallel_loop3A_262, %parallel_loop3A_345 : vector<16xf32>
        %parallel_loop3A_436 = arith.mulf %parallel_loop3A_435, %parallel_loop3A_385 : vector<16xf32>
        %parallel_loop3A_437 = arith.mulf %parallel_loop3A_436, %get3A_35 : vector<16xf32>
        %parallel_loop3A_438 = arith.addf %parallel_loop3A_437, %get3A_67 : vector<16xf32>
        %parallel_loop3A_439 = arith.index_cast %parallel_loop3A_206 : i32 to index
        %parallel_loop3A_440 = arith.constant 112 : index
        %parallel_loop3A_441 = tpu.vector_load %arg15[%parallel_loop3A_439, %parallel_loop3A_440] {strides = array<i32>} : memref<64x128xf32, #tpu.memory_space<vmem>>, vector<16xf32>,
        tpu.vector_store %arg15[%parallel_loop3A_439, %parallel_loop3A_440], %parallel_loop3A_438 {strides = array<i32>} : memref<64x128xf32, #tpu.memory_space<vmem>>, vector<16xf32>,
      } {sc.loop_unroll_factor = 2 : i64, sc.parallel_access}
      %mul3A_152 = arith.constant 64 : i32
      %mul3A_153 = arith.muli %add3A_118, %mul3A_152 : i32
      %add3A_154 = arith.addi %mul3A_2, %mul3A_153 : i32
      %dma_start3A_155 = arith.constant 0 : i32
      %dma_start3A_156 = tpu.memref_slice %arg7[%add3A_154, %dma_start3A_155] : memref<204800x128xf32, #tpu.memory_space<hbm>> -> memref<64x128xf32, #tpu.memory_space<hbm>>
      %dma_start3A_157 = arith.constant 0 : i32
      %dma_start3A_158 = tpu.memref_slice %arg7[%add3A_154, %dma_start3A_157] : memref<204800x128xf32, #tpu.memory_space<hbm>> -> memref<64x128xf32, #tpu.memory_space<hbm>>
      tpu.enqueue_dma source(%arg15 : memref<64x128xf32, #tpu.memory_space<vmem>>) target(%dma_start3A_158 : memref<64x128xf32, #tpu.memory_space<hbm>>) target_semaphore(%arg24 : memref<!tpu.dma_semaphore, #tpu.memory_space<semaphore_mem>>)
      %mul3A_159 = arith.constant 2 : i32
      %mul3A_160 = arith.muli %add3A_114, %mul3A_159 : i32
      %add3A_161 = arith.constant 1 : i32
      %add3A_162 = arith.addi %mul3A_160, %add3A_161 : i32
      %add3A_163 = arith.constant 1 : i32
      %add3A_164 = arith.addi %add3A_162, %add3A_163 : i32
      %lt3A_165 = arith.constant 100 : i32
      %lt3A_166 = arith.cmpi slt, %add3A_164, %lt3A_165 : i32
      %convert_element_type3A_167 = arith.extui %lt3A_166 : i1 to i32
      %cond3A_168 = arith.constant 0 : i32
      %cond3A_169 = arith.cmpi ne, %convert_element_type3A_167, %cond3A_168 : i32
      scf.if %cond3A_169 {
        %add3A_206 = arith.constant 1 : i32
        %add3A_207 = arith.addi %add3A_162, %add3A_206 : i32
        %add3A_208 = arith.constant 1 : i32
        %add3A_209 = arith.addi %add3A_114, %add3A_208 : i32
        %dma_start3A_210 = arith.constant 0 : i32
        %dma_start3A_211 = tpu.memref_slice %arg8[%add3A_209, %dma_start3A_210] : memref<50x128xi32, #tpu.memory_space<vmem>> -> memref<1x64xi32, #tpu.memory_space<vmem>>
        %dma_start3A_212 = tpu.memref_squeeze %dma_start3A_211 : memref<1x64xi32, #tpu.memory_space<vmem>> -> memref<64xi32, #tpu.memory_space<vmem>>
        %dma_start3A_213 = arith.constant 0 : i32
        %dma_start3A_214 = arith.constant 0 : i32
        %dma_start3A_215 = tpu.memref_slice %arg4[%dma_start3A_213, %dma_start3A_214] : memref<100000x128xf32, #tpu.memory_space<hbm>> -> memref<100000x128xf32, #tpu.memory_space<hbm>>
        tpu.enqueue_indirect_dma source(%dma_start3A_215 : memref<100000x128xf32, #tpu.memory_space<hbm>>) target(%arg11 : memref<64x128xf32, #tpu.memory_space<vmem>>) offsets(%dma_start3A_212 : memref<64xi32, #tpu.memory_space<vmem>>) semaphore(%arg18 : memref<!tpu.dma_semaphore, #tpu.memory_space<semaphore_mem>>)
        %dma_start3A_216 = arith.constant 0 : i32
        %dma_start3A_217 = tpu.memref_slice %arg9[%add3A_207, %dma_start3A_216] : memref<100x128xi32, #tpu.memory_space<vmem>> -> memref<1x64xi32, #tpu.memory_space<vmem>>
        %dma_start3A_218 = tpu.memref_squeeze %dma_start3A_217 : memref<1x64xi32, #tpu.memory_space<vmem>> -> memref<64xi32, #tpu.memory_space<vmem>>
        %dma_start3A_219 = arith.constant 0 : i32
        %dma_start3A_220 = arith.constant 0 : i32
        %dma_start3A_221 = tpu.memref_slice %arg17[%dma_start3A_219, %dma_start3A_220] : memref<6024x128xf32, #tpu.memory_space<vmem_shared>> -> memref<6024x128xf32, #tpu.memory_space<vmem_shared>>
        tpu.enqueue_indirect_dma source(%dma_start3A_221 : memref<6024x128xf32, #tpu.memory_space<vmem_shared>>) target(%arg13 : memref<64x128xf32, #tpu.memory_space<vmem>>) offsets(%dma_start3A_218 : memref<64xi32, #tpu.memory_space<vmem>>) semaphore(%arg20 : memref<!tpu.dma_semaphore, #tpu.memory_space<semaphore_mem>>)
      } else {
      }
      %add3A_170 = arith.constant 0 : i32
      %add3A_171 = arith.addi %add3A_114, %add3A_170 : i32
      %dma_wait3A_172 = arith.constant 64 : i32
      %dma_wait3A_173 = tpu.memref_slice %arg8[%add3A_171, %dma_wait3A_172] : memref<50x128xi32, #tpu.memory_space<vmem>> -> memref<1x64xi32, #tpu.memory_space<vmem>>
      %dma_wait3A_174 = tpu.memref_squeeze %dma_wait3A_173 : memref<1x64xi32, #tpu.memory_space<vmem>> -> memref<64xi32, #tpu.memory_space<vmem>>
      %dma_wait3A_175 = arith.constant 0 : i32
      %dma_wait3A_176 = arith.constant 0 : i32
      %dma_wait3A_177 = tpu.memref_slice %arg4[%dma_wait3A_175, %dma_wait3A_176] : memref<100000x128xf32, #tpu.memory_space<hbm>> -> memref<100000x128xf32, #tpu.memory_space<hbm>>
      tpu.wait_indirect_dma semaphore(%arg19 : memref<!tpu.dma_semaphore, #tpu.memory_space<semaphore_mem>>) src(%dma_wait3A_177 : memref<100000x128xf32, #tpu.memory_space<hbm>>) dst(%arg12 : memref<64x128xf32, #tpu.memory_space<vmem>>)
      %dma_wait3A_178 = arith.constant 64 : i32
      %dma_wait3A_179 = tpu.memref_slice %arg9[%add3A_162, %dma_wait3A_178] : memref<100x128xi32, #tpu.memory_space<vmem>> -> memref<1x64xi32, #tpu.memory_space<vmem>>
      %dma_wait3A_180 = tpu.memref_squeeze %dma_wait3A_179 : memref<1x64xi32, #tpu.memory_space<vmem>> -> memref<64xi32, #tpu.memory_space<vmem>>
      %dma_wait3A_181 = arith.constant 0 : i32
      %dma_wait3A_182 = arith.constant 0 : i32
      %dma_wait3A_183 = tpu.memref_slice %arg17[%dma_wait3A_181, %dma_wait3A_182] : memref<6024x128xf32, #tpu.memory_space<vmem_shared>> -> memref<6024x128xf32, #tpu.memory_space<vmem_shared>>
      tpu.wait_indirect_dma semaphore(%arg23 : memref<!tpu.dma_semaphore, #tpu.memory_space<semaphore_mem>>) src(%dma_wait3A_183 : memref<6024x128xf32, #tpu.memory_space<vmem_shared>>) dst(%arg14 : memref<64x128xf32, #tpu.memory_space<vmem>>)
      %add3A_184 = arith.constant 1 : i32
      %add3A_185 = arith.addi %add3A_162, %add3A_184 : i32
      %lt3A_186 = arith.constant 100 : i32
      %lt3A_187 = arith.cmpi slt, %add3A_185, %lt3A_186 : i32
      %convert_element_type3A_188 = arith.extui %lt3A_187 : i1 to i32
      %cond3A_189 = arith.constant 0 : i32
      %cond3A_190 = arith.cmpi ne, %convert_element_type3A_188, %cond3A_189 : i32
      scf.if %cond3A_190 {
        %add3A_206 = arith.constant 1 : i32
        %add3A_207 = arith.addi %add3A_162, %add3A_206 : i32
        %dma_wait3A_208 = arith.constant 0 : i32
        %dma_wait3A_209 = tpu.memref_slice %arg9[%add3A_207, %dma_wait3A_208] : memref<100x128xi32, #tpu.memory_space<vmem>> -> memref<1x64xi32, #tpu.memory_space<vmem>>
        %dma_wait3A_210 = tpu.memref_squeeze %dma_wait3A_209 : memref<1x64xi32, #tpu.memory_space<vmem>> -> memref<64xi32, #tpu.memory_space<vmem>>
        %dma_wait3A_211 = arith.constant 0 : i32
        %dma_wait3A_212 = arith.constant 0 : i32
        %dma_wait3A_213 = tpu.memref_slice %arg17[%dma_wait3A_211, %dma_wait3A_212] : memref<6024x128xf32, #tpu.memory_space<vmem_shared>> -> memref<6024x128xf32, #tpu.memory_space<vmem_shared>>
        tpu.wait_indirect_dma semaphore(%arg20 : memref<!tpu.dma_semaphore, #tpu.memory_space<semaphore_mem>>) src(%dma_wait3A_213 : memref<6024x128xf32, #tpu.memory_space<vmem_shared>>) dst(%arg13 : memref<64x128xf32, #tpu.memory_space<vmem>>)
        %dma_start3A_214 = arith.constant 64 : i32
        %dma_start3A_215 = tpu.memref_slice %arg9[%add3A_207, %dma_start3A_214] : memref<100x128xi32, #tpu.memory_space<vmem>> -> memref<1x64xi32, #tpu.memory_space<vmem>>
        %dma_start3A_216 = tpu.memref_squeeze %dma_start3A_215 : memref<1x64xi32, #tpu.memory_space<vmem>> -> memref<64xi32, #tpu.memory_space<vmem>>
        %dma_start3A_217 = arith.constant 0 : i32
        %dma_start3A_218 = arith.constant 0 : i32
        %dma_start3A_219 = tpu.memref_slice %arg17[%dma_start3A_217, %dma_start3A_218] : memref<6024x128xf32, #tpu.memory_space<vmem_shared>> -> memref<6024x128xf32, #tpu.memory_space<vmem_shared>>
        tpu.enqueue_indirect_dma source(%dma_start3A_219 : memref<6024x128xf32, #tpu.memory_space<vmem_shared>>) target(%arg13 : memref<64x128xf32, #tpu.memory_space<vmem>>) offsets(%dma_start3A_216 : memref<64xi32, #tpu.memory_space<vmem>>) semaphore(%arg22 : memref<!tpu.dma_semaphore, #tpu.memory_space<semaphore_mem>>) {add = true}
      } else {
      }
      %ge3A_191 = arith.constant 2 : i32
      %ge3A_192 = arith.cmpi sge, %add3A_162, %ge3A_191 : i32
      %convert_element_type3A_193 = arith.extui %ge3A_192 : i1 to i32
      %cond3A_194 = arith.constant 0 : i32
      %cond3A_195 = arith.cmpi ne, %convert_element_type3A_193, %cond3A_194 : i32
      scf.if %cond3A_195 {
        %sub3A = arith.constant 2 : i32
        %sub3A_206 = arith.subi %add3A_162, %sub3A : i32
        %mul3A_207 = arith.constant 64 : i32
        %mul3A_208 = arith.muli %sub3A_206, %mul3A_207 : i32
        %add3A_209 = arith.addi %mul3A_2, %mul3A_208 : i32
        %dma_wait3A_210 = arith.constant 0 : i32
        %dma_wait3A_211 = tpu.memref_slice %arg7[%add3A_209, %dma_wait3A_210] : memref<204800x128xf32, #tpu.memory_space<hbm>> -> memref<64x128xf32, #tpu.memory_space<hbm>>
        %dma_wait3A_212 = arith.constant 0 : i32
        %dma_wait3A_213 = tpu.memref_slice %arg7[%add3A_209, %dma_wait3A_212] : memref<204800x128xf32, #tpu.memory_space<hbm>> -> memref<64x128xf32, #tpu.memory_space<hbm>>
        tpu.wait_dma2 semaphore(%arg25 : memref<!tpu.dma_semaphore, #tpu.memory_space<semaphore_mem>>) src(%arg16 : memref<64x128xf32, #tpu.memory_space<vmem>>) dst(%dma_wait3A_213 : memref<64x128xf32, #tpu.memory_space<hbm>>)
      } else {
      }
      %parallel_loop3A_196 = arith.constant 0 : i32
      %parallel_loop3A_197 = arith.constant 64 : i32
      %parallel_loop3A_198 = arith.constant 1 : i32
      scf.for %parallel_loop3A_206 = %parallel_loop3A_196 to %parallel_loop3A_197 step %parallel_loop3A_198  : i32 {
        %parallel_loop3A_207 = arith.index_cast %parallel_loop3A_206 : i32 to index
        %parallel_loop3A_208 = arith.constant 0 : index
        %parallel_loop3A_209 = tpu.vector_load %arg12[%parallel_loop3A_207, %parallel_loop3A_208] {strides = array<i32>} : memref<64x128xf32, #tpu.memory_space<vmem>>, vector<16xf32>,
        %parallel_loop3A_210 = arith.index_cast %parallel_loop3A_206 : i32 to index
        %parallel_loop3A_211 = arith.constant 0 : index
        %parallel_loop3A_212 = tpu.vector_load %arg14[%parallel_loop3A_210, %parallel_loop3A_211] {strides = array<i32>} : memref<64x128xf32, #tpu.memory_space<vmem>>, vector<16xf32>,
        %parallel_loop3A_213 = arith.addf %parallel_loop3A_209, %parallel_loop3A_212 : vector<16xf32>
        %parallel_loop3A_214 = arith.index_cast %parallel_loop3A_206 : i32 to index
        %parallel_loop3A_215 = arith.constant 16 : index
        %parallel_loop3A_216 = tpu.vector_load %arg12[%parallel_loop3A_214, %parallel_loop3A_215] {strides = array<i32>} : memref<64x128xf32, #tpu.memory_space<vmem>>, vector<16xf32>,
        %parallel_loop3A_217 = arith.index_cast %parallel_loop3A_206 : i32 to index
        %parallel_loop3A_218 = arith.constant 16 : index
        %parallel_loop3A_219 = tpu.vector_load %arg14[%parallel_loop3A_217, %parallel_loop3A_218] {strides = array<i32>} : memref<64x128xf32, #tpu.memory_space<vmem>>, vector<16xf32>,
        %parallel_loop3A_220 = arith.addf %parallel_loop3A_216, %parallel_loop3A_219 : vector<16xf32>
        %parallel_loop3A_221 = arith.index_cast %parallel_loop3A_206 : i32 to index
        %parallel_loop3A_222 = arith.constant 32 : index
        %parallel_loop3A_223 = tpu.vector_load %arg12[%parallel_loop3A_221, %parallel_loop3A_222] {strides = array<i32>} : memref<64x128xf32, #tpu.memory_space<vmem>>, vector<16xf32>,
        %parallel_loop3A_224 = arith.index_cast %parallel_loop3A_206 : i32 to index
        %parallel_loop3A_225 = arith.constant 32 : index
        %parallel_loop3A_226 = tpu.vector_load %arg14[%parallel_loop3A_224, %parallel_loop3A_225] {strides = array<i32>} : memref<64x128xf32, #tpu.memory_space<vmem>>, vector<16xf32>,
        %parallel_loop3A_227 = arith.addf %parallel_loop3A_223, %parallel_loop3A_226 : vector<16xf32>
        %parallel_loop3A_228 = arith.index_cast %parallel_loop3A_206 : i32 to index
        %parallel_loop3A_229 = arith.constant 48 : index
        %parallel_loop3A_230 = tpu.vector_load %arg12[%parallel_loop3A_228, %parallel_loop3A_229] {strides = array<i32>} : memref<64x128xf32, #tpu.memory_space<vmem>>, vector<16xf32>,
        %parallel_loop3A_231 = arith.index_cast %parallel_loop3A_206 : i32 to index
        %parallel_loop3A_232 = arith.constant 48 : index
        %parallel_loop3A_233 = tpu.vector_load %arg14[%parallel_loop3A_231, %parallel_loop3A_232] {strides = array<i32>} : memref<64x128xf32, #tpu.memory_space<vmem>>, vector<16xf32>,
        %parallel_loop3A_234 = arith.addf %parallel_loop3A_230, %parallel_loop3A_233 : vector<16xf32>
        %parallel_loop3A_235 = arith.index_cast %parallel_loop3A_206 : i32 to index
        %parallel_loop3A_236 = arith.constant 64 : index
        %parallel_loop3A_237 = tpu.vector_load %arg12[%parallel_loop3A_235, %parallel_loop3A_236] {strides = array<i32>} : memref<64x128xf32, #tpu.memory_space<vmem>>, vector<16xf32>,
        %parallel_loop3A_238 = arith.index_cast %parallel_loop3A_206 : i32 to index
        %parallel_loop3A_239 = arith.constant 64 : index
        %parallel_loop3A_240 = tpu.vector_load %arg14[%parallel_loop3A_238, %parallel_loop3A_239] {strides = array<i32>} : memref<64x128xf32, #tpu.memory_space<vmem>>, vector<16xf32>,
        %parallel_loop3A_241 = arith.addf %parallel_loop3A_237, %parallel_loop3A_240 : vector<16xf32>
        %parallel_loop3A_242 = arith.index_cast %parallel_loop3A_206 : i32 to index
        %parallel_loop3A_243 = arith.constant 80 : index
        %parallel_loop3A_244 = tpu.vector_load %arg12[%parallel_loop3A_242, %parallel_loop3A_243] {strides = array<i32>} : memref<64x128xf32, #tpu.memory_space<vmem>>, vector<16xf32>,
        %parallel_loop3A_245 = arith.index_cast %parallel_loop3A_206 : i32 to index
        %parallel_loop3A_246 = arith.constant 80 : index
        %parallel_loop3A_247 = tpu.vector_load %arg14[%parallel_loop3A_245, %parallel_loop3A_246] {strides = array<i32>} : memref<64x128xf32, #tpu.memory_space<vmem>>, vector<16xf32>,
        %parallel_loop3A_248 = arith.addf %parallel_loop3A_244, %parallel_loop3A_247 : vector<16xf32>
        %parallel_loop3A_249 = arith.index_cast %parallel_loop3A_206 : i32 to index
        %parallel_loop3A_250 = arith.constant 96 : index
        %parallel_loop3A_251 = tpu.vector_load %arg12[%parallel_loop3A_249, %parallel_loop3A_250] {strides = array<i32>} : memref<64x128xf32, #tpu.memory_space<vmem>>, vector<16xf32>,
        %parallel_loop3A_252 = arith.index_cast %parallel_loop3A_206 : i32 to index
        %parallel_loop3A_253 = arith.constant 96 : index
        %parallel_loop3A_254 = tpu.vector_load %arg14[%parallel_loop3A_252, %parallel_loop3A_253] {strides = array<i32>} : memref<64x128xf32, #tpu.memory_space<vmem>>, vector<16xf32>,
        %parallel_loop3A_255 = arith.addf %parallel_loop3A_251, %parallel_loop3A_254 : vector<16xf32>
        %parallel_loop3A_256 = arith.index_cast %parallel_loop3A_206 : i32 to index
        %parallel_loop3A_257 = arith.constant 112 : index
        %parallel_loop3A_258 = tpu.vector_load %arg12[%parallel_loop3A_256, %parallel_loop3A_257] {strides = array<i32>} : memref<64x128xf32, #tpu.memory_space<vmem>>, vector<16xf32>,
        %parallel_loop3A_259 = arith.index_cast %parallel_loop3A_206 : i32 to index
        %parallel_loop3A_260 = arith.constant 112 : index
        %parallel_loop3A_261 = tpu.vector_load %arg14[%parallel_loop3A_259, %parallel_loop3A_260] {strides = array<i32>} : memref<64x128xf32, #tpu.memory_space<vmem>>, vector<16xf32>,
        %parallel_loop3A_262 = arith.addf %parallel_loop3A_258, %parallel_loop3A_261 : vector<16xf32>
        %parallel_loop3A_263 = arith.mulf %parallel_loop3A_213, %parallel_loop3A_213 : vector<16xf32>
        %parallel_loop3A_264 = arith.addf %parallel_loop3A_213, %parallel_loop3A_220 : vector<16xf32>
        %parallel_loop3A_265 = arith.mulf %parallel_loop3A_220, %parallel_loop3A_220 : vector<16xf32>
        %parallel_loop3A_266 = arith.addf %parallel_loop3A_263, %parallel_loop3A_265 : vector<16xf32>
        %parallel_loop3A_267 = arith.addf %parallel_loop3A_264, %parallel_loop3A_227 : vector<16xf32>
        %parallel_loop3A_268 = arith.mulf %parallel_loop3A_227, %parallel_loop3A_227 : vector<16xf32>
        %parallel_loop3A_269 = arith.addf %parallel_loop3A_266, %parallel_loop3A_268 : vector<16xf32>
        %parallel_loop3A_270 = arith.addf %parallel_loop3A_267, %parallel_loop3A_234 : vector<16xf32>
        %parallel_loop3A_271 = arith.mulf %parallel_loop3A_234, %parallel_loop3A_234 : vector<16xf32>
        %parallel_loop3A_272 = arith.addf %parallel_loop3A_269, %parallel_loop3A_271 : vector<16xf32>
        %parallel_loop3A_273 = arith.addf %parallel_loop3A_270, %parallel_loop3A_241 : vector<16xf32>
        %parallel_loop3A_274 = arith.mulf %parallel_loop3A_241, %parallel_loop3A_241 : vector<16xf32>
        %parallel_loop3A_275 = arith.addf %parallel_loop3A_272, %parallel_loop3A_274 : vector<16xf32>
        %parallel_loop3A_276 = arith.addf %parallel_loop3A_273, %parallel_loop3A_248 : vector<16xf32>
        %parallel_loop3A_277 = arith.mulf %parallel_loop3A_248, %parallel_loop3A_248 : vector<16xf32>
        %parallel_loop3A_278 = arith.addf %parallel_loop3A_275, %parallel_loop3A_277 : vector<16xf32>
        %parallel_loop3A_279 = arith.addf %parallel_loop3A_276, %parallel_loop3A_255 : vector<16xf32>
        %parallel_loop3A_280 = arith.mulf %parallel_loop3A_255, %parallel_loop3A_255 : vector<16xf32>
        %parallel_loop3A_281 = arith.addf %parallel_loop3A_278, %parallel_loop3A_280 : vector<16xf32>
        %parallel_loop3A_282 = arith.addf %parallel_loop3A_279, %parallel_loop3A_262 : vector<16xf32>
        %parallel_loop3A_283 = arith.mulf %parallel_loop3A_262, %parallel_loop3A_262 : vector<16xf32>
        %parallel_loop3A_284 = arith.addf %parallel_loop3A_281, %parallel_loop3A_283 : vector<16xf32>
        %parallel_loop3A_285 = tpu.iota {dimensions = array<i32: 0>} : vector<16xi32>
        %parallel_loop3A_286 = arith.constant 8 : i32
        %parallel_loop3A_287 = vector.broadcast %parallel_loop3A_286 : i32 to vector<16xi32>
        %parallel_loop3A_288 = arith.xori %parallel_loop3A_285, %parallel_loop3A_287 : vector<16xi32>
        %parallel_loop3A_289 = vector.shape_cast %parallel_loop3A_288 : vector<16xi32> to vector<16x1xi32>
        %parallel_loop3A_290 = vector.shape_cast %parallel_loop3A_289 : vector<16x1xi32> to vector<16xi32>
        %parallel_loop3A_291 = tpu.dynamic_gather %parallel_loop3A_282[%parallel_loop3A_290] in [0] : vector<16xf32>, vector<16xi32> -> vector<16xf32>
        %parallel_loop3A_292 = arith.addf %parallel_loop3A_282, %parallel_loop3A_291 : vector<16xf32>
        %parallel_loop3A_293 = arith.constant 4 : i32
        %parallel_loop3A_294 = vector.broadcast %parallel_loop3A_293 : i32 to vector<16xi32>
        %parallel_loop3A_295 = arith.xori %parallel_loop3A_285, %parallel_loop3A_294 : vector<16xi32>
        %parallel_loop3A_296 = vector.shape_cast %parallel_loop3A_295 : vector<16xi32> to vector<16x1xi32>
        %parallel_loop3A_297 = vector.shape_cast %parallel_loop3A_296 : vector<16x1xi32> to vector<16xi32>
        %parallel_loop3A_298 = tpu.dynamic_gather %parallel_loop3A_292[%parallel_loop3A_297] in [0] : vector<16xf32>, vector<16xi32> -> vector<16xf32>
        %parallel_loop3A_299 = arith.addf %parallel_loop3A_292, %parallel_loop3A_298 : vector<16xf32>
        %parallel_loop3A_300 = arith.constant 2 : i32
        %parallel_loop3A_301 = vector.broadcast %parallel_loop3A_300 : i32 to vector<16xi32>
        %parallel_loop3A_302 = arith.xori %parallel_loop3A_285, %parallel_loop3A_301 : vector<16xi32>
        %parallel_loop3A_303 = vector.shape_cast %parallel_loop3A_302 : vector<16xi32> to vector<16x1xi32>
        %parallel_loop3A_304 = vector.shape_cast %parallel_loop3A_303 : vector<16x1xi32> to vector<16xi32>
        %parallel_loop3A_305 = tpu.dynamic_gather %parallel_loop3A_299[%parallel_loop3A_304] in [0] : vector<16xf32>, vector<16xi32> -> vector<16xf32>
        %parallel_loop3A_306 = arith.addf %parallel_loop3A_299, %parallel_loop3A_305 : vector<16xf32>
        %parallel_loop3A_307 = arith.constant 1 : i32
        %parallel_loop3A_308 = vector.broadcast %parallel_loop3A_307 : i32 to vector<16xi32>
        %parallel_loop3A_309 = arith.xori %parallel_loop3A_285, %parallel_loop3A_308 : vector<16xi32>
        %parallel_loop3A_310 = vector.shape_cast %parallel_loop3A_309 : vector<16xi32> to vector<16x1xi32>
        %parallel_loop3A_311 = vector.shape_cast %parallel_loop3A_310 : vector<16x1xi32> to vector<16xi32>
        %parallel_loop3A_312 = tpu.dynamic_gather %parallel_loop3A_306[%parallel_loop3A_311] in [0] : vector<16xf32>, vector<16xi32> -> vector<16xf32>
        %parallel_loop3A_313 = arith.addf %parallel_loop3A_306, %parallel_loop3A_312 : vector<16xf32>
        %parallel_loop3A_314 = tpu.iota {dimensions = array<i32: 0>} : vector<16xi32>
        %parallel_loop3A_315 = arith.constant 8 : i32
        %parallel_loop3A_316 = vector.broadcast %parallel_loop3A_315 : i32 to vector<16xi32>
        %parallel_loop3A_317 = arith.xori %parallel_loop3A_314, %parallel_loop3A_316 : vector<16xi32>
        %parallel_loop3A_318 = vector.shape_cast %parallel_loop3A_317 : vector<16xi32> to vector<16x1xi32>
        %parallel_loop3A_319 = vector.shape_cast %parallel_loop3A_318 : vector<16x1xi32> to vector<16xi32>
        %parallel_loop3A_320 = tpu.dynamic_gather %parallel_loop3A_284[%parallel_loop3A_319] in [0] : vector<16xf32>, vector<16xi32> -> vector<16xf32>
        %parallel_loop3A_321 = arith.addf %parallel_loop3A_284, %parallel_loop3A_320 : vector<16xf32>
        %parallel_loop3A_322 = arith.constant 4 : i32
        %parallel_loop3A_323 = vector.broadcast %parallel_loop3A_322 : i32 to vector<16xi32>
        %parallel_loop3A_324 = arith.xori %parallel_loop3A_314, %parallel_loop3A_323 : vector<16xi32>
        %parallel_loop3A_325 = vector.shape_cast %parallel_loop3A_324 : vector<16xi32> to vector<16x1xi32>
        %parallel_loop3A_326 = vector.shape_cast %parallel_loop3A_325 : vector<16x1xi32> to vector<16xi32>
        %parallel_loop3A_327 = tpu.dynamic_gather %parallel_loop3A_321[%parallel_loop3A_326] in [0] : vector<16xf32>, vector<16xi32> -> vector<16xf32>
        %parallel_loop3A_328 = arith.addf %parallel_loop3A_321, %parallel_loop3A_327 : vector<16xf32>
        %parallel_loop3A_329 = arith.constant 2 : i32
        %parallel_loop3A_330 = vector.broadcast %parallel_loop3A_329 : i32 to vector<16xi32>
        %parallel_loop3A_331 = arith.xori %parallel_loop3A_314, %parallel_loop3A_330 : vector<16xi32>
        %parallel_loop3A_332 = vector.shape_cast %parallel_loop3A_331 : vector<16xi32> to vector<16x1xi32>
        %parallel_loop3A_333 = vector.shape_cast %parallel_loop3A_332 : vector<16x1xi32> to vector<16xi32>
        %parallel_loop3A_334 = tpu.dynamic_gather %parallel_loop3A_328[%parallel_loop3A_333] in [0] : vector<16xf32>, vector<16xi32> -> vector<16xf32>
        %parallel_loop3A_335 = arith.addf %parallel_loop3A_328, %parallel_loop3A_334 : vector<16xf32>
        %parallel_loop3A_336 = arith.constant 1 : i32
        %parallel_loop3A_337 = vector.broadcast %parallel_loop3A_336 : i32 to vector<16xi32>
        %parallel_loop3A_338 = arith.xori %parallel_loop3A_314, %parallel_loop3A_337 : vector<16xi32>
        %parallel_loop3A_339 = vector.shape_cast %parallel_loop3A_338 : vector<16xi32> to vector<16x1xi32>
        %parallel_loop3A_340 = vector.shape_cast %parallel_loop3A_339 : vector<16x1xi32> to vector<16xi32>
        %parallel_loop3A_341 = tpu.dynamic_gather %parallel_loop3A_335[%parallel_loop3A_340] in [0] : vector<16xf32>, vector<16xi32> -> vector<16xf32>
        %parallel_loop3A_342 = arith.addf %parallel_loop3A_335, %parallel_loop3A_341 : vector<16xf32>
        %parallel_loop3A_343 = arith.constant 7.812500e-03 : f32
        %parallel_loop3A_344 = vector.broadcast %parallel_loop3A_343 : f32 to vector<16xf32>
        %parallel_loop3A_345 = arith.mulf %parallel_loop3A_313, %parallel_loop3A_344 : vector<16xf32>
        %parallel_loop3A_346 = arith.constant 7.812500e-03 : f32
        %parallel_loop3A_347 = vector.broadcast %parallel_loop3A_346 : f32 to vector<16xf32>
        %parallel_loop3A_348 = arith.mulf %parallel_loop3A_342, %parallel_loop3A_347 : vector<16xf32>
        %parallel_loop3A_349 = arith.mulf %parallel_loop3A_345, %parallel_loop3A_345 : vector<16xf32>
        %parallel_loop3A_350 = arith.subf %parallel_loop3A_348, %parallel_loop3A_349 : vector<16xf32>
        %parallel_loop3A_351 = arith.constant 0.000000e+00 : f32
        %parallel_loop3A_352 = vector.broadcast %parallel_loop3A_351 : f32 to vector<16xf32>
        %parallel_loop3A_353 = arith.maximumf %parallel_loop3A_350, %parallel_loop3A_352 : vector<16xf32>
        %parallel_loop3A_354 = arith.constant 9.99999996E-13 : f32
        %parallel_loop3A_355 = vector.broadcast %parallel_loop3A_354 : f32 to vector<16xf32>
        %parallel_loop3A_356 = arith.addf %parallel_loop3A_353, %parallel_loop3A_355 : vector<16xf32>
        %parallel_loop3A_357 = vector.bitcast %parallel_loop3A_356 : vector<16xf32> to vector<16xi32>
        %parallel_loop3A_358 = arith.constant 1 : i32
        %parallel_loop3A_359 = vector.broadcast %parallel_loop3A_358 : i32 to vector<16xi32>
        %parallel_loop3A_360 = arith.shrsi %parallel_loop3A_357, %parallel_loop3A_359 : vector<16xi32>
        %parallel_loop3A_361 = arith.constant 1597463007 : i32
        %parallel_loop3A_362 = vector.broadcast %parallel_loop3A_361 : i32 to vector<16xi32>
        %parallel_loop3A_363 = arith.subi %parallel_loop3A_362, %parallel_loop3A_360 : vector<16xi32>
        %parallel_loop3A_364 = vector.bitcast %parallel_loop3A_363 : vector<16xi32> to vector<16xf32>
        %parallel_loop3A_365 = arith.constant 5.000000e-01 : f32
        %parallel_loop3A_366 = vector.broadcast %parallel_loop3A_365 : f32 to vector<16xf32>
        %parallel_loop3A_367 = arith.mulf %parallel_loop3A_356, %parallel_loop3A_366 : vector<16xf32>
        %parallel_loop3A_368 = arith.mulf %parallel_loop3A_367, %parallel_loop3A_364 : vector<16xf32>
        %parallel_loop3A_369 = arith.mulf %parallel_loop3A_368, %parallel_loop3A_364 : vector<16xf32>
        %parallel_loop3A_370 = arith.constant 1.500000e+00 : f32
        %parallel_loop3A_371 = vector.broadcast %parallel_loop3A_370 : f32 to vector<16xf32>
        %parallel_loop3A_372 = arith.subf %parallel_loop3A_371, %parallel_loop3A_369 : vector<16xf32>
        %parallel_loop3A_373 = arith.mulf %parallel_loop3A_364, %parallel_loop3A_372 : vector<16xf32>
        %parallel_loop3A_374 = arith.mulf %parallel_loop3A_367, %parallel_loop3A_373 : vector<16xf32>
        %parallel_loop3A_375 = arith.mulf %parallel_loop3A_374, %parallel_loop3A_373 : vector<16xf32>
        %parallel_loop3A_376 = arith.constant 1.500000e+00 : f32
        %parallel_loop3A_377 = vector.broadcast %parallel_loop3A_376 : f32 to vector<16xf32>
        %parallel_loop3A_378 = arith.subf %parallel_loop3A_377, %parallel_loop3A_375 : vector<16xf32>
        %parallel_loop3A_379 = arith.mulf %parallel_loop3A_373, %parallel_loop3A_378 : vector<16xf32>
        %parallel_loop3A_380 = arith.mulf %parallel_loop3A_367, %parallel_loop3A_379 : vector<16xf32>
        %parallel_loop3A_381 = arith.mulf %parallel_loop3A_380, %parallel_loop3A_379 : vector<16xf32>
        %parallel_loop3A_382 = arith.constant 1.500000e+00 : f32
        %parallel_loop3A_383 = vector.broadcast %parallel_loop3A_382 : f32 to vector<16xf32>
        %parallel_loop3A_384 = arith.subf %parallel_loop3A_383, %parallel_loop3A_381 : vector<16xf32>
        %parallel_loop3A_385 = arith.mulf %parallel_loop3A_379, %parallel_loop3A_384 : vector<16xf32>
        %parallel_loop3A_386 = arith.subf %parallel_loop3A_213, %parallel_loop3A_345 : vector<16xf32>
        %parallel_loop3A_387 = arith.mulf %parallel_loop3A_386, %parallel_loop3A_385 : vector<16xf32>
        %parallel_loop3A_388 = arith.mulf %parallel_loop3A_387, %get3A_7 : vector<16xf32>
        %parallel_loop3A_389 = arith.addf %parallel_loop3A_388, %get3A_39 : vector<16xf32>
        %parallel_loop3A_390 = arith.index_cast %parallel_loop3A_206 : i32 to index
        %parallel_loop3A_391 = arith.constant 0 : index
        %parallel_loop3A_392 = tpu.vector_load %arg16[%parallel_loop3A_390, %parallel_loop3A_391] {strides = array<i32>} : memref<64x128xf32, #tpu.memory_space<vmem>>, vector<16xf32>,
        tpu.vector_store %arg16[%parallel_loop3A_390, %parallel_loop3A_391], %parallel_loop3A_389 {strides = array<i32>} : memref<64x128xf32, #tpu.memory_space<vmem>>, vector<16xf32>,
        %parallel_loop3A_393 = arith.subf %parallel_loop3A_220, %parallel_loop3A_345 : vector<16xf32>
        %parallel_loop3A_394 = arith.mulf %parallel_loop3A_393, %parallel_loop3A_385 : vector<16xf32>
        %parallel_loop3A_395 = arith.mulf %parallel_loop3A_394, %get3A_11 : vector<16xf32>
        %parallel_loop3A_396 = arith.addf %parallel_loop3A_395, %get3A_43 : vector<16xf32>
        %parallel_loop3A_397 = arith.index_cast %parallel_loop3A_206 : i32 to index
        %parallel_loop3A_398 = arith.constant 16 : index
        %parallel_loop3A_399 = tpu.vector_load %arg16[%parallel_loop3A_397, %parallel_loop3A_398] {strides = array<i32>} : memref<64x128xf32, #tpu.memory_space<vmem>>, vector<16xf32>,
        tpu.vector_store %arg16[%parallel_loop3A_397, %parallel_loop3A_398], %parallel_loop3A_396 {strides = array<i32>} : memref<64x128xf32, #tpu.memory_space<vmem>>, vector<16xf32>,
        %parallel_loop3A_400 = arith.subf %parallel_loop3A_227, %parallel_loop3A_345 : vector<16xf32>
        %parallel_loop3A_401 = arith.mulf %parallel_loop3A_400, %parallel_loop3A_385 : vector<16xf32>
        %parallel_loop3A_402 = arith.mulf %parallel_loop3A_401, %get3A_15 : vector<16xf32>
        %parallel_loop3A_403 = arith.addf %parallel_loop3A_402, %get3A_47 : vector<16xf32>
        %parallel_loop3A_404 = arith.index_cast %parallel_loop3A_206 : i32 to index
        %parallel_loop3A_405 = arith.constant 32 : index
        %parallel_loop3A_406 = tpu.vector_load %arg16[%parallel_loop3A_404, %parallel_loop3A_405] {strides = array<i32>} : memref<64x128xf32, #tpu.memory_space<vmem>>, vector<16xf32>,
        tpu.vector_store %arg16[%parallel_loop3A_404, %parallel_loop3A_405], %parallel_loop3A_403 {strides = array<i32>} : memref<64x128xf32, #tpu.memory_space<vmem>>, vector<16xf32>,
        %parallel_loop3A_407 = arith.subf %parallel_loop3A_234, %parallel_loop3A_345 : vector<16xf32>
        %parallel_loop3A_408 = arith.mulf %parallel_loop3A_407, %parallel_loop3A_385 : vector<16xf32>
        %parallel_loop3A_409 = arith.mulf %parallel_loop3A_408, %get3A_19 : vector<16xf32>
        %parallel_loop3A_410 = arith.addf %parallel_loop3A_409, %get3A_51 : vector<16xf32>
        %parallel_loop3A_411 = arith.index_cast %parallel_loop3A_206 : i32 to index
        %parallel_loop3A_412 = arith.constant 48 : index
        %parallel_loop3A_413 = tpu.vector_load %arg16[%parallel_loop3A_411, %parallel_loop3A_412] {strides = array<i32>} : memref<64x128xf32, #tpu.memory_space<vmem>>, vector<16xf32>,
        tpu.vector_store %arg16[%parallel_loop3A_411, %parallel_loop3A_412], %parallel_loop3A_410 {strides = array<i32>} : memref<64x128xf32, #tpu.memory_space<vmem>>, vector<16xf32>,
        %parallel_loop3A_414 = arith.subf %parallel_loop3A_241, %parallel_loop3A_345 : vector<16xf32>
        %parallel_loop3A_415 = arith.mulf %parallel_loop3A_414, %parallel_loop3A_385 : vector<16xf32>
        %parallel_loop3A_416 = arith.mulf %parallel_loop3A_415, %get3A_23 : vector<16xf32>
        %parallel_loop3A_417 = arith.addf %parallel_loop3A_416, %get3A_55 : vector<16xf32>
        %parallel_loop3A_418 = arith.index_cast %parallel_loop3A_206 : i32 to index
        %parallel_loop3A_419 = arith.constant 64 : index
        %parallel_loop3A_420 = tpu.vector_load %arg16[%parallel_loop3A_418, %parallel_loop3A_419] {strides = array<i32>} : memref<64x128xf32, #tpu.memory_space<vmem>>, vector<16xf32>,
        tpu.vector_store %arg16[%parallel_loop3A_418, %parallel_loop3A_419], %parallel_loop3A_417 {strides = array<i32>} : memref<64x128xf32, #tpu.memory_space<vmem>>, vector<16xf32>,
        %parallel_loop3A_421 = arith.subf %parallel_loop3A_248, %parallel_loop3A_345 : vector<16xf32>
        %parallel_loop3A_422 = arith.mulf %parallel_loop3A_421, %parallel_loop3A_385 : vector<16xf32>
        %parallel_loop3A_423 = arith.mulf %parallel_loop3A_422, %get3A_27 : vector<16xf32>
        %parallel_loop3A_424 = arith.addf %parallel_loop3A_423, %get3A_59 : vector<16xf32>
        %parallel_loop3A_425 = arith.index_cast %parallel_loop3A_206 : i32 to index
        %parallel_loop3A_426 = arith.constant 80 : index
        %parallel_loop3A_427 = tpu.vector_load %arg16[%parallel_loop3A_425, %parallel_loop3A_426] {strides = array<i32>} : memref<64x128xf32, #tpu.memory_space<vmem>>, vector<16xf32>,
        tpu.vector_store %arg16[%parallel_loop3A_425, %parallel_loop3A_426], %parallel_loop3A_424 {strides = array<i32>} : memref<64x128xf32, #tpu.memory_space<vmem>>, vector<16xf32>,
        %parallel_loop3A_428 = arith.subf %parallel_loop3A_255, %parallel_loop3A_345 : vector<16xf32>
        %parallel_loop3A_429 = arith.mulf %parallel_loop3A_428, %parallel_loop3A_385 : vector<16xf32>
        %parallel_loop3A_430 = arith.mulf %parallel_loop3A_429, %get3A_31 : vector<16xf32>
        %parallel_loop3A_431 = arith.addf %parallel_loop3A_430, %get3A_63 : vector<16xf32>
        %parallel_loop3A_432 = arith.index_cast %parallel_loop3A_206 : i32 to index
        %parallel_loop3A_433 = arith.constant 96 : index
        %parallel_loop3A_434 = tpu.vector_load %arg16[%parallel_loop3A_432, %parallel_loop3A_433] {strides = array<i32>} : memref<64x128xf32, #tpu.memory_space<vmem>>, vector<16xf32>,
        tpu.vector_store %arg16[%parallel_loop3A_432, %parallel_loop3A_433], %parallel_loop3A_431 {strides = array<i32>} : memref<64x128xf32, #tpu.memory_space<vmem>>, vector<16xf32>,
        %parallel_loop3A_435 = arith.subf %parallel_loop3A_262, %parallel_loop3A_345 : vector<16xf32>
        %parallel_loop3A_436 = arith.mulf %parallel_loop3A_435, %parallel_loop3A_385 : vector<16xf32>
        %parallel_loop3A_437 = arith.mulf %parallel_loop3A_436, %get3A_35 : vector<16xf32>
        %parallel_loop3A_438 = arith.addf %parallel_loop3A_437, %get3A_67 : vector<16xf32>
        %parallel_loop3A_439 = arith.index_cast %parallel_loop3A_206 : i32 to index
        %parallel_loop3A_440 = arith.constant 112 : index
        %parallel_loop3A_441 = tpu.vector_load %arg16[%parallel_loop3A_439, %parallel_loop3A_440] {strides = array<i32>} : memref<64x128xf32, #tpu.memory_space<vmem>>, vector<16xf32>,
        tpu.vector_store %arg16[%parallel_loop3A_439, %parallel_loop3A_440], %parallel_loop3A_438 {strides = array<i32>} : memref<64x128xf32, #tpu.memory_space<vmem>>, vector<16xf32>,
      } {sc.loop_unroll_factor = 2 : i64, sc.parallel_access}
      %mul3A_199 = arith.constant 64 : i32
      %mul3A_200 = arith.muli %add3A_162, %mul3A_199 : i32
      %add3A_201 = arith.addi %mul3A_2, %mul3A_200 : i32
      %dma_start3A_202 = arith.constant 0 : i32
      %dma_start3A_203 = tpu.memref_slice %arg7[%add3A_201, %dma_start3A_202] : memref<204800x128xf32, #tpu.memory_space<hbm>> -> memref<64x128xf32, #tpu.memory_space<hbm>>
      %dma_start3A_204 = arith.constant 0 : i32
      %dma_start3A_205 = tpu.memref_slice %arg7[%add3A_201, %dma_start3A_204] : memref<204800x128xf32, #tpu.memory_space<hbm>> -> memref<64x128xf32, #tpu.memory_space<hbm>>
      tpu.enqueue_dma source(%arg16 : memref<64x128xf32, #tpu.memory_space<vmem>>) target(%dma_start3A_205 : memref<64x128xf32, #tpu.memory_space<hbm>>) target_semaphore(%arg25 : memref<!tpu.dma_semaphore, #tpu.memory_space<semaphore_mem>>)
    }
    %scan3A_97 = arith.constant 50 : i32
    %add3A_98 = arith.constant 6272 : i32
    %add3A_99 = arith.addi %mul3A_2, %add3A_98 : i32
    %dma_wait3A_100 = arith.constant 0 : i32
    %dma_wait3A_101 = tpu.memref_slice %arg7[%add3A_99, %dma_wait3A_100] : memref<204800x128xf32, #tpu.memory_space<hbm>> -> memref<64x128xf32, #tpu.memory_space<hbm>>
    %dma_wait3A_102 = arith.constant 0 : i32
    %dma_wait3A_103 = tpu.memref_slice %arg7[%add3A_99, %dma_wait3A_102] : memref<204800x128xf32, #tpu.memory_space<hbm>> -> memref<64x128xf32, #tpu.memory_space<hbm>>
    tpu.wait_dma2 semaphore(%arg24 : memref<!tpu.dma_semaphore, #tpu.memory_space<semaphore_mem>>) src(%arg15 : memref<64x128xf32, #tpu.memory_space<vmem>>) dst(%dma_wait3A_103 : memref<64x128xf32, #tpu.memory_space<hbm>>)
    %add3A_104 = arith.constant 6336 : i32
    %add3A_105 = arith.addi %mul3A_2, %add3A_104 : i32
    %dma_wait3A_106 = arith.constant 0 : i32
    %dma_wait3A_107 = tpu.memref_slice %arg7[%add3A_105, %dma_wait3A_106] : memref<204800x128xf32, #tpu.memory_space<hbm>> -> memref<64x128xf32, #tpu.memory_space<hbm>>
    %dma_wait3A_108 = arith.constant 0 : i32
    %dma_wait3A_109 = tpu.memref_slice %arg7[%add3A_105, %dma_wait3A_108] : memref<204800x128xf32, #tpu.memory_space<hbm>> -> memref<64x128xf32, #tpu.memory_space<hbm>>
    tpu.wait_dma2 semaphore(%arg25 : memref<!tpu.dma_semaphore, #tpu.memory_space<semaphore_mem>>) src(%arg16 : memref<64x128xf32, #tpu.memory_space<vmem>>) dst(%dma_wait3A_109 : memref<64x128xf32, #tpu.memory_space<hbm>>)
    return
  }
}

</mosaic_0001>

<sc_bundles>
// kernel: kernel.3.cloned.1.call-start
scs
__scs_entry_jumppad:
0x0: {  	(pc) =	sbr.rel $0x88, $3  }
0x1: {  	(tag) =	ssettag $0x0;
	lr =	simm.s32 $0x1  }
0x2: {  	[smem:$0x3F97] =	sst lr;
	_ =	strace $0xD0000000  }
0x3: {  	_ = 	snop  }
0x4: {  	_ = 	snop  }
0x5: {  	_ = 	snop  }
0x6: {  	_ = 	snop  }
0x7: {  	_ = 	snop  }
__scs_overlays_trampoline_lowered:
0x8: {  	[smem:$0x3FA6] =	sst s0  }
0x9: {  	[smem:$0x3FA7] =	sst s1  }
0xa: {  	[smem:$0x3FA8] =	sst s2  }
0xb: {  	[smem:$0x3FA9] =	sst s3  }
0xc: {  	[smem:$0x3FAA] =	sst s4  }
0xd: {  	[smem:$0x3FAB] =	sst s5  }
0xe: {  	[smem:$0x3FAC] =	sst s6  }
0xf: {  	[smem:$0x3FAD] =	sst s7  }
0x10: {  	[smem:$0x3FAE] =	sst s8  }
0x11: {  	[smem:$0x3FAF] =	sst s9;
	s0 =	simm.s32 @!p0 $0x0  }
0x12: {  	s1 =	sld [smem:$0x3F95];
	s0 =	simm.s32 @p0 $0x1  }
0x13: {  	[smem:$0x3FB0] =	sst s0;
	s0 =	simm.s32 @!p1 $0x0  }
0x14: {  	s2 =	sld [smem:$0x3F94];
	s0 =	simm.s32 @p1 $0x1  }
0x15: {  	[smem:$0x3FB1] =	sst s0;
	s0 =	simm.s32 @!p2 $0x0  }
0x16: {  	s3 =	sld [smem:$0x3FDB];
	s0 =	simm.s32 @p2 $0x1  }
0x17: {  	s4 =	simm.s32 $0x1BF5;
	[smem:$0x3FB3] =	sst s0  }
0x18: {  	s0 =	sld [smem:$0x3F96];
	_ =	swait.ge [sflag:s4], $0x0  }
0x19: {  	s7 =	sld [smem:$0x3F97]  }
0x1a: {  	s8 =	sadd.s32 $0xFFFFE003, lr  }
0x1b: {  	s9 =	sadd.s32 $0xFFFFFEF7, lr;
	s5 =	simm.s32 $0xFFFFFFFF;
	p2 =	slt.u32 s8, $0xFFFFF086  }
0x1c: {  	p1 =	slt.u32 s9, $0xF7A;
	s5 =	simm.s32 @!p2 $0x0  }
0x1d: {  	s5 =	simm.s32 @p1 $0x1;
	p0 =	seq.s32 s7, s2  }
0x1e: {  	s7 =	smul.u32 @!p0 $0xF7A, s2;
	p2 =	seq.s32 @!p0 s5, $0x0  }
0x1f: {  	s9 =	smul.u32 $0xF7A, s1;
	s8 =	simm.s32 @!p0 $0x1BF5;
	p2 =	por !p2, p0  }
0x20: {  	[sflag:s8] =	ssyncset.s32 @!p0 $0xFFFFF086;
	s6 =	sadd.s32 @!p0 s3, s7;
	s7 =	simm.s32 @!p0 $0x108  }
0x21: {  	s3 =	sadd.s32 s3, s9;
	s6 =	sadd.s32 @!p0 $0x88, s6;
	s7 =	simm.s32 @p2 $0x1082  }
0x22: {  	[simem:s7], [sflag:s8] =	dma.local @!p0 [hbm:s6], $0xF7A  }
0x23: {  	s9 =	sor.u32 $0xD0000000, s2;
	s6 =	simm.s32 $0x108;
	_ =	swait.ge @!p0 [sflag:s8], $0x0  }
0x24: {  	s3 =	sadd.s32 $0x88, s3;
	s6 =	simm.s32 @!p1 $0x1082;
	[sflag:s4] =	ssyncset.s32 $0xFFFFF086  }
0x25: {  	[simem:s6], [sflag:s4] =	dma.local [hbm:s3], $0xF7A  }
0x26: {  	[smem:$0x3F97] =	sst s1;
	(tag) =	ssettag s2;
	_ =	strace s9  }
0x27: {  	s1 =	sld [smem:$0x3FA7]  }
0x28: {  	s2 =	sld [smem:$0x3FA8]  }
0x29: {  	s4 =	sld [smem:$0x3FAA]  }
0x2a: {  	p0 =	seq.s32 s5, $0x0;
	s5 =	sld [smem:$0x3FAB]  }
0x2b: {  	s6 =	sld [smem:$0x3FAC]  }
0x2c: {  	s7 =	sld [smem:$0x3FAD]  }
0x2d: {  	s3 =	simm.s32 $0x108;
	s8 =	sld [smem:$0x3FAE]  }
0x2e: {  	s3 =	simm.s32 @!p0 $0x1082;
	s9 =	sld [smem:$0x3FAF]  }
0x2f: {  	lr =	sadd.s32 s0, s3;
	s0 =	sld [smem:$0x3FA6]  }
0x30: {  	s3 =	sld [smem:$0x3FA9]  }
0x31: {  	[smem:$0x3FB2] =	sst s10  }
0x32: {  	s10 =	sld [smem:$0x3FB0];
	_ =	sdelay $0x3  }
0x33: {  	p0 =	seq.s32 s10, $0x1;
	s10 =	sld [smem:$0x3FB2];
	_ =	sdelay $0x3  }
0x34: {  	[smem:$0x3FB2] =	sst s10  }
0x35: {  	s10 =	sld [smem:$0x3FB1];
	_ =	sdelay $0x3  }
0x36: {  	p1 =	seq.s32 s10, $0x1;
	s10 =	sld [smem:$0x3FB2];
	_ =	sdelay $0x3  }
0x37: {  	[smem:$0x3FB2] =	sst s10  }
0x38: {  	s10 =	sld [smem:$0x3FB3]  }
0x39: {  	_ = 	snop;
	(pc) =	sbr.ind lr, $3  }
0x3a: {  	_ = 	snop  }
0x3b: {  	_ = 	snop  }
0x3c: {  	p2 =	seq.s32 s10, $0x1;
	s10 =	sld [smem:$0x3FB2]  }
0x3d: {  	_ =	shalt  }
0x3e: {  	_ =	shalt  }
0x3f: {  	_ =	shalt  }
0x40: {  	_ =	shalt  }
0x41: {  	_ =	shalt  }
0x42: {  	_ =	shalt  }
0x43: {  	_ =	shalt  }
0x44: {  	_ =	shalt  }
0x45: {  	_ =	shalt  }
0x46: {  	_ =	shalt  }
0x47: {  	_ =	shalt  }
0x48: {  	_ =	shalt  }
0x49: {  	_ =	shalt  }
0x4a: {  	_ =	shalt  }
0x4b: {  	_ =	shalt  }
0x4c: {  	_ =	shalt  }
0x4d: {  	_ =	shalt  }
0x4e: {  	_ =	shalt  }
0x4f: {  	_ =	shalt  }
0x50: {  	_ =	shalt  }
0x51: {  	_ =	shalt  }
0x52: {  	_ =	shalt  }
0x53: {  	_ =	shalt  }
0x54: {  	_ =	shalt  }
0x55: {  	_ =	shalt  }
0x56: {  	_ =	shalt  }
0x57: {  	_ =	shalt  }
0x58: {  	_ =	shalt  }
0x59: {  	_ =	shalt  }
0x5a: {  	_ =	shalt  }
0x5b: {  	_ =	shalt  }
0x5c: {  	_ =	shalt  }
0x5d: {  	_ =	shalt  }
0x5e: {  	_ =	shalt  }
0x5f: {  	_ =	shalt  }
0x60: {  	_ =	shalt  }
0x61: {  	_ =	shalt  }
0x62: {  	_ =	shalt  }
0x63: {  	_ =	shalt  }
0x64: {  	_ =	shalt  }
0x65: {  	_ =	shalt  }
0x66: {  	_ =	shalt  }
0x67: {  	_ =	shalt  }
0x68: {  	_ =	shalt  }
0x69: {  	_ =	shalt  }
0x6a: {  	_ =	shalt  }
0x6b: {  	_ =	shalt  }
0x6c: {  	_ =	shalt  }
0x6d: {  	_ =	shalt  }
0x6e: {  	_ =	shalt  }
0x6f: {  	_ =	shalt  }
0x70: {  	_ =	shalt  }
0x71: {  	_ =	shalt  }
0x72: {  	_ =	shalt  }
0x73: {  	_ =	shalt  }
0x74: {  	_ =	shalt  }
0x75: {  	_ =	shalt  }
0x76: {  	_ =	shalt  }
0x77: {  	_ =	shalt  }
0x78: {  	_ =	shalt  }
0x79: {  	_ =	shalt  }
0x7a: {  	_ =	shalt  }
0x7b: {  	_ =	shalt  }
0x7c: {  	_ =	shalt  }
0x7d: {  	_ =	shalt  }
0x7e: {  	_ =	shalt  }
0x7f: {  	_ =	shalt  }
0x80: {  	_ =	shalt  }
0x81: {  	_ =	shalt  }
0x82: {  	_ =	shalt  }
0x83: {  	_ =	shalt  }
0x84: {  	_ =	shalt  }
0x85: {  	_ =	shalt  }
0x86: {  	_ =	shalt  }
0x87: {  	_ =	shalt  }
.Lfunc_end0:
.L_simem_size_0:
called_computation_lowered:
.L_overlay_start_0:
0x88: {  	s2 =	sld [smem:$0x3FD9]  }
0x89: {  	s3 =	sld [smem:$0x3FFE];
	_ =	sdelay $0x1  }
0x8a: {  	s1 =	srdreg.scid  }
0x8b: {  	s0 =	sand.u32 $0x1, s1  }
0x8c: {  	s17 =	sshll.u32 s0, $0xA;
	s2 =	sadd.s32 s3, s2  }
0x8d: {  	s2 =	sadd.s32 s2, s17  }
0x8e: {  	[smem:$0x3FBE] =	sst s2  }
0x8f: {  	_ = 	snop  }
0x90: {  	s2 =	sld [smem:$0x3FC5]  }
0x91: {  	s18 =	sld [smem:$0x3FD0];
	(tm) =	ssettm $0x1  }
0x92: {  	s4 =	sld [smem:$0x3FFB];
	_ =	sdelay $0x3  }
0x93: {  	_ =	strace s4  }
0x94: {  	s4 =	sld [smem:$0x3FFC];
	_ =	sdelay $0x3  }
0x95: {  	_ =	strace s4  }
0x96: {  	s4 =	sld [smem:$0x3FFD];
	_ =	sdelay $0x3  }
0x97: {  	_ =	strace s4  }
0x98: {  	_ =	strace $0x8FFFFFFF  }
0x99: {  	s19 =	sld [smem:$0x3FDB];
	_ =	sdelay $0x1  }
0x9a: {  	s5 =	simm.s32 $_scs_section_size  }
0x9b: {  	s6 =	simm.s32 $_size__tile_overlayer_lowered;
	s7 =	simm.s32 $_tile_overlayer_lowered  }
0x9c: {  	s22 =	simm.s32 $0x1BFF;
	s21 =	sshll.u32 s7, $0x1;
	s4 =	sadd.s32 s5, s19  }
0x9d: {  	s8 =	simm.s32 $0x0;
	s20 =	sshll.u32 s6, $0x1;
	s6 =	sadd.s32 s21, s4  }
0x9e: {  	[timem:s8], [sflag:s22] =	dma.local [hbm:s6], s20  }
0x9f: {  	_ =	swait.ge [sflag:s22], s20  }
0xa0: {  	s5 =	ssub.s32 $0x0, s20;
	[sflag:s22] =	ssyncset.done $0x0  }
0xa1: {  	[sflag:s22] =	ssyncadd.s32 s5;
	_ =	sdelay $0x1  }
0xa2: {  	s23 =	simm.s32 $0x1B8B  }
0xa3: {  	_ =	swait.ge [sflag:s23], $0x1  }
0xa4: {  	[sflag:s23] =	ssyncset.done $0x0  }
0xa5: {  	s25 =	simm.s32 $0x1B8E;
	s24 =	sld [smem:$0x3FFE];
	[sflag:s23] =	ssyncadd.s32 $0xFFFFFFFF  }
0xa6: {  	s26 =	simm.s32 $execute0_lowered;
	[smem:$0x3FD2] =	sst s25  }
0xa7: {  	s6 =	sshll.u32 s26, $0x1;
	_ =	strace $0x80000046;
	[dreg:$0x1] =	wrdreg $0xFFFFFFFF  }
0xa8: {  	s28 =	simm.s32 $_size_execute0_lowered;
	s4 =	sadd.s32 s4, s6;
	[dreg:$0x0] =	wrdreg $0x0  }
0xa9: {  	s6 =	sshll.u32 s28, $0x1;
	[dreg:$0x2] =	wrdreg s4  }
0xaa: {  	[dreg:$0x3] =	wrdreg s6  }
0xab: {  	[dreg:$0x4] =	wrdreg $0xC0  }
0xac: {  	_ =	task [dreg:s8], $0x5FFFF  }
0xad: {  	[dreg:$0x1] =	wrdreg $0xFFFFFFFF  }
0xae: {  	[dreg:$0x0] =	wrdreg $0x60  }
0xaf: {  	[dreg:$0x2] =	wrdreg s24  }
0xb0: {  	[dreg:$0x3] =	wrdreg s2  }
0xb1: {  	[dreg:$0x4] =	wrdreg s18  }
0xb2: {  	[dreg:$0x5] =	wrdreg $0x111000  }
0xb3: {  	[dreg:$0x6] =	wrdreg $0x9  }
0xb4: {  	_ =	task.clear_ibuf [dreg:s8], $0x7FFFF;
	_ =	strace $0x90000046  }
0xb5: {  	s29 =	simm.s32 $0x9;
	_ =	strace $0x80000048  }
0xb6: {  	_ =	swait.ge [sflag:s29], $0x1  }
0xb7: {  	[sflag:s29] =	ssyncadd.s32 $0xFFFFFFFF  }
0xb8: {  	_ =	strace $0x90000048  }
0xb9: {  	_ =	sfence  }
0xba: {  	s30 =	sld [smem:$0x0];
	_ =	sdelay $0x2  }
0xbb: {  	s31 =	sshll.u32 s1, $0xD;
	s1 =	sshrl.u32 s1, $0x2  }
0xbc: {  	s3 =	sand.u32 $0x4000, s31;
	s1 =	sadd.s32 s1, s30  }
0xbd: {  	s0 =	sor.u32 s3, s0;
	s1 =	sshll.u32 s1, $0x11  }
0xbe: {  	s0 =	sor.u32 s1, s0  }
0xbf: {  	s0 =	sadd.s32 $0x8F2B, s0  }
0xc0: {  	[sflag:s0] =	ssyncadd.remote.s32 $0x1  }
0xc1: {  	_ =	sfence.sel $0xFFFF  }
0xc2: {  	[dreg:$0x0] =	wrdreg $0xFFFFFFFF;
	(pc) =	sbr.abs _section_cstart, $3  }
0xc3: {  	[dreg:$0x1] =	wrdreg $0xFFFFFFFF  }
0xc4: {  	_ =	task.clear_ibuf [dreg:s8], $0x2FFFF;
	_ =	strace $0x9FFFFFFF  }
0xc5: {  	(tm) =	ssettm $0x7FFFFFFF  }
tec
execute0_lowered:
.L_overlay_start_1:
0x0: {  	(tag) =	ssettag $0x1  }
0x1: {  	s2 =	rddreg [dreg:$0x0]  }
0x2: {  	s0 =	rddreg [dreg:$0x1]  }
0x3: {  	s1 =	rddreg [dreg:$0x2];
	s4 =	srdreg.scid  }
0x4: {  	s5 =	stileid.u32;
	s3 =	rddreg [dreg:$0x3];
	s12 =	simm.s32 $0x9  }
0x5: {  	s15 =	simm.s32 $0x40;
	s16 =	simm.s32 $0x5100;
	s17 =	simm.s32 $0x9100  }
0x6: {  	s18 =	simm.s32 $0x3;
	s20 =	simm.s32 $0x7100;
	s21 =	simm.s32 $0xB100  }
0x7: {  	v0 =	vimm.s32 $0xFEDCBA98;
	v1 =	vimm.s32 $0x76543210;
	v2 =	vimm.s32 $0xBA98FEDC;
	s22 =	simm.s32 $0x1;
	s23 =	simm.s32 $0x5;
	s28 =	simm.s32 $0x6  }
0x8: {  	v3 =	vimm.s32 $0x32107654;
	v4 =	vimm.s32 $0xDCFE98BA;
	s29 =	simm.s32 $0x8;
	s30 =	simm.s32 $0xF100;
	s31 =	simm.s32 $0x7  }
0x9: {  	v5 =	vimm.s32 $0x54761032;
	v6 =	vimm.s32 $0xEFCDAB89;
	v7 =	vimm.s32 $0x67452301;
	s6 =	sand.u32 $0x1, s4;
	s7 =	sshll.u32 s5, $0x1;
	s4 =	simm.s32 $0x0  }
0xa: {  	v0 =	vunpack.c.l.s4.s8 v0;
	s10 =	sadd.s32 $0x15400, s2;
	s24 =	sadd.s32 $0x15200, s2;
	v1 =	vunpack.c.l.s4.s8 v1;
	v2 =	vunpack.c.l.s4.s8 v2;
	p0 =	sne.s32 s5, $0x0  }
0xb: {  	v3 =	vunpack.c.l.s4.s8 v3;
	v4 =	vunpack.c.l.s4.s8 v4;
	v5 =	vunpack.c.l.s4.s8 v5;
	s7 =	sor.u32 s6, s7;
	[smem:$0x7FF] =	sst s4;
	s6 =	ssub.s32 $0x2, s6  }
0xc: {  	v6 =	vunpack.c.l.s4.s8 v6;
	v7 =	vunpack.c.l.s4.s8 v7;
	s11 =	sshrl.u32 @!p0 s3, $0x3;
	s8 =	smul.u32 $0x380, s7;
	_ =	strace $0x80000047;
	v0 =	vunpack.c.0.s8.s32 v0  }
0xd: {  	s9 =	smul.u32 $0x680, s7;
	[dreg:$0x5] =	wrdreg s10;
	s25 =	sshrl.u32 s6, $0x1;
	v2 =	vunpack.c.0.s8.s32 v2;
	v3 =	vunpack.c.0.s8.s32 v3;
	v4 =	vunpack.c.0.s8.s32 v4  }
0xe: {  	[dreg:$0x6] =	wrdreg s24;
	v5 =	vunpack.c.0.s8.s32 v5;
	v6 =	vunpack.c.0.s8.s32 v6;
	v7 =	vunpack.c.0.s8.s32 v7;
	s24 =	simm.s32 $0x4;
	s6 =	ssub.s32 s6, s25  }
0xf: {  	v1 =	vunpack.c.0.s8.s32 v1;
	s25 =	simm.s32 $0xD100;
	s8 =	sadd.s32 s8, s2;
	s26 =	smax.u32 s6, $0x1;
	v2 =	vcombine.low v3, v2  }
0x10: {  	s2 =	sadd.s32 s9, s2;
	v3 =	vcombine.low v5, v4;
	v4 =	vcombine.low v7, v6;
	v0 =	vand.u32 $0xF, v0;
	s8 =	sadd.s32 $0x1200, s8;
	[dreg:$0x9] =	wrdreg s26  }
0x11: {  	s9 =	smul.u32 $0xC8000, s7;
	s2 =	sadd.s32 $0x8200, s2;
	v0 =	vcombine.low v0, v1;
	[dreg:$0x7] =	wrdreg s8  }
0x12: {  	s26 =	simm.s32 $0x2;
	[dreg:$0x8] =	wrdreg s2;
	v1 =	vand.u32 $0xF, v2;
	v2 =	vand.u32 $0xF, v3;
	v3 =	vand.u32 $0xF, v4;
	s2 =	simm.s32 $0x0  }
.LBB2_1:
0x13: {  	s5 =	simm.s32 @!p0 $0x1C09;
	s6 =	rddreg [dreg:$0x5]  }
0x14: {  	[spmem:s11], [sflag:s5] =	dma.local @!p0 [hbm:s6], $0x17880  }
0x15: {  	s5 =	simm.s32 @!p0 $0x9  }
0x16: {  	_ =	swait.ge @!p0 [sflag:s5], $0x17880  }
0x17: {  	[sflag:s5] =	ssyncset.done @!p0 $0x0  }
0x18: {  	s8 =	rddreg [dreg:$0x7];
	[sflag:s5] =	ssyncadd.s32 @!p0 $0xFFFE8780  }
0x19: {  	[tilespmem:s4], [sflag:$0x9] =	stream.linear.gather [hbm4b:s8+s4], $0x1900, $0x38;
	[tilespmem:$0x1CD40] =	vst v63  }
0x1a: {  	_ =	swait.ge [sflag:s12], $0x1900  }
0x1b: {  	[sflag:s12] =	ssyncset.done $0x0  }
0x1c: {  	s13 =	simm.s32 $0x1C00;
	s10 =	rddreg [dreg:$0x8];
	[sflag:s12] =	ssyncadd.s32 $0xFFFFE700  }
0x1d: {  	[tilespmem:s13], [sflag:$0x9] =	stream.linear.gather [hbm4b:s10+s4], $0x3200, $0x38;
	[tilespmem:$0x1CD40] =	vst v63  }
0x1e: {  	_ =	swait.ge [sflag:s12], $0x3200  }
0x1f: {  	[sflag:s12] =	ssyncset.done $0x0  }
0x20: {  	s7 =	simm.s32 $0x5000;
	s14 =	rddreg [dreg:$0x6];
	[sflag:s12] =	ssyncadd.s32 $0xFFFFCE00  }
0x21: {  	[tilespmem:s7], [sflag:$0x9] =	stream.linear.gather [hbm4b:s14+s4], $0x100, $0x38;
	[tilespmem:$0x1CD40] =	vst v63  }
0x22: {  	_ =	swait.ge [sflag:s12], $0x100  }
0x23: {  	[sflag:s12] =	ssyncset.done $0x0  }
0x24: {  	[sflag:s12] =	ssyncadd.s32 $0xFFFFFF00  }
0x25: {  	[bflag:$0x0] =	sbarrier.arrive $0xFFFF  }
0x26: {  	v4 =	vld [tilespmem:$0x5000]  }
0x27: {  	v5 =	vld [tilespmem:$0x5010]  }
0x28: {  	v6 =	vld [tilespmem:$0x5020]  }
0x29: {  	v7 =	vld [tilespmem:$0x5030]  }
0x2a: {  	v8 =	vld [tilespmem:$0x5040]  }
0x2b: {  	v9 =	vld [tilespmem:$0x5050]  }
0x2c: {  	v10 =	vld [tilespmem:$0x5060]  }
0x2d: {  	v11 =	vld [tilespmem:$0x5070]  }
0x2e: {  	v12 =	vld [tilespmem:$0x5080]  }
0x2f: {  	v13 =	vld [tilespmem:$0x5090]  }
0x30: {  	v14 =	vld [tilespmem:$0x50A0]  }
0x31: {  	v15 =	vld [tilespmem:$0x50B0]  }
0x32: {  	v16 =	vld [tilespmem:$0x50C0]  }
0x33: {  	v17 =	vld [tilespmem:$0x50D0]  }
0x34: {  	v18 =	vld [tilespmem:$0x50E0]  }
0x35: {  	v19 =	vld [tilespmem:$0x50F0];
	[tilespmem:s16], [sflag:$0x1] =	stream.indirect.gather [hbm4b:s0+s15], $0x80, s4, s15, $0xb8  }
0x36: {  	_ = 	snop  }
0x37: {  	[tilespmem:s17], [sflag:$0x3] =	stream.indirect.gather [spmem:s3], $0x80, s13, s15, $0xb8;
	[tilespmem:$0x1CD40] =	vst v63  }
0x38: {  	_ =	swait.ge [sflag:s18], $0x2000  }
0x39: {  	[sflag:s18] =	ssyncset.done $0x0  }
0x3a: {  	s19 =	simm.s32 $0x1C40;
	s14 =	simm.s32 $0x0;
	[sflag:s18] =	ssyncadd.s32 $0xFFFFE000  }
0x3b: {  	[tilespmem:s17], [sflag:$0x5] =	stream.indirect.gather.add.f32 [spmem:s3], $0x80, s19, s15, $0xb8;
	[tilespmem:$0x1CD40] =	vst v63  }
.LBB2_2:
0x3c: {  	s5 =	sshll.u32 s14, $0x7  }
0x3d: {  	s19 =	sshllo.u32 s14, $0x1;
	s13 =	sand.u32 $0x3FFFFF80, s5  }
0x3e: {  	s6 =	sshll.u32 s19, $0x7;
	s5 =	sor.u32 $0x40, s13  }
0x3f: {  	[tilespmem:s20], [sflag:$0x2] =	stream.indirect.gather [hbm4b:s0+s15], $0x80, s5, s15, $0xb8;
	[tilespmem:$0x1CD40] =	vst v63  }
0x40: {  	s5 =	sand.u32 $0x3FFFFF80, s6  }
0x41: {  	s6 =	sadd.s32 $0x1C00, s5  }
0x42: {  	[tilespmem:s21], [sflag:$0x4] =	stream.indirect.gather [spmem:s3], $0x80, s6, s15, $0xb8;
	[tilespmem:$0x1CD40] =	vst v63  }
0x43: {  	_ =	swait.ge [sflag:s22], $0x2000  }
0x44: {  	[sflag:s22] =	ssyncset.done $0x0  }
0x45: {  	[sflag:s22] =	ssyncadd.s32 $0xFFFFE000  }
0x46: {  	_ =	swait.ge [sflag:s23], $0x2000  }
0x47: {  	[sflag:s23] =	ssyncset.done $0x0  }
0x48: {  	[sflag:s23] =	ssyncadd.s32 $0xFFFFE000  }
0x49: {  	_ =	swait.ge [sflag:s24], $0x2000  }
0x4a: {  	[sflag:s24] =	ssyncset.done $0x0  }
0x4b: {  	p1 =	seq.s32 s14, $0x0;
	s5 =	sadd.s32 $0x1C40, s5;
	[sflag:s24] =	ssyncadd.s32 $0xFFFFE000  }
0x4c: {  	[tilespmem:s21], [sflag:$0x6] =	stream.indirect.gather.add.f32 [spmem:s3], $0x80, s5, s15, $0xb8;
	[tilespmem:$0x1CD40] =	vst v63  }
0x4d: {  	s5 =	simm.s32 @!p1 $0x7  }
0x4e: {  	_ =	swait.ge @!p1 [sflag:s5], $0x2000  }
0x4f: {  	[sflag:s5] =	ssyncset.done @!p1 $0x0  }
0x50: {  	s7 =	simm.s32 $0x5180;
	[sflag:s5] =	ssyncadd.s32 @!p1 $0xFFFFE000  }
0x51: {  	s8 =	simm.s32 $0x9180;
	v20 =	vld [tilespmem:s7+$0x0]  }
0x52: {  	v21 =	vld [tilespmem:s8+$0x0]  }
0x53: {  	v23 =	vld [tilespmem:s7+$0x10]  }
0x54: {  	v24 =	vld [tilespmem:s8+$0x10]  }
0x55: {  	v26 =	vld [tilespmem:s7+$0x20]  }
0x56: {  	v27 =	vld [tilespmem:s8+$0x20]  }
0x57: {  	v25 =	vld [tilespmem:s7+$0x30]  }
0x58: {  	v28 =	vld [tilespmem:s8+$0x30]  }
0x59: {  	v29 =	vld [tilespmem:s8+$0x40]  }
0x5a: {  	v22 =	vadd.f32 v21, v20;
	v20 =	vld [tilespmem:s7+$0x40];
	v21 =	vadd.f32 v24, v23  }
0x5b: {  	v30 =	vld [tilespmem:s7+$0x50];
	v23 =	vadd.f32 v27, v26  }
0x5c: {  	v26 =	vld [tilespmem:s8+$0x50];
	v31 =	vmul.f32 v22, v22;
	v32 =	vmul.f32 v21, v21;
	v27 =	vadd.f32 v21, v22  }
0x5d: {  	v49 =	vld [tilespmem:s8+$0x60];
	v24 =	vadd.f32 v28, v25  }
0x5e: {  	v28 =	vld [tilespmem:s7+$0x60];
	v33 =	vmul.f32 v23, v23;
	v31 =	vadd.f32 v32, v31;
	v27 =	vadd.f32 v23, v27  }
0x5f: {  	v25 =	vadd.f32 v29, v20;
	v20 =	vld [tilespmem:s7+$0x70]  }
0x60: {  	v50 =	vmul.f32 v24, v24;
	v29 =	vld [tilespmem:s8+$0x70];
	v31 =	vadd.f32 v33, v31;
	v27 =	vadd.f32 v24, v27  }
0x61: {  	v26 =	vadd.f32 v26, v30  }
0x62: {  	v34 =	vld [tilespmem:s7+$0xFFFFFF90];
	v51 =	vmul.f32 v25, v25;
	v31 =	vadd.f32 v50, v31;
	v27 =	vadd.f32 v25, v27  }
0x63: {  	v52 =	vld [tilespmem:s8+$0xFFFFFF90];
	v28 =	vadd.f32 v49, v28  }
0x64: {  	v35 =	vld [tilespmem:s7+$0xFFFFFF80];
	v53 =	vmul.f32 v26, v26;
	v31 =	vadd.f32 v51, v31;
	v27 =	vadd.f32 v26, v27  }
0x65: {  	v36 =	vld [tilespmem:s8+$0xFFFFFFA0];
	v20 =	vadd.f32 v29, v20  }
0x66: {  	v30 =	vld [tilespmem:s8+$0xFFFFFF80];
	v54 =	vmul.f32 v28, v28;
	v31 =	vadd.f32 v53, v31;
	v27 =	vadd.f32 v28, v27  }
0x67: {  	v37 =	vld [tilespmem:s7+$0xFFFFFFB0]  }
0x68: {  	v29 =	vld [tilespmem:s7+$0xFFFFFFA0];
	v55 =	vmul.f32 v20, v20;
	v31 =	vadd.f32 v54, v31;
	v27 =	vadd.f32 v20, v27  }
0x69: {  	v38 =	vld [tilespmem:s8+$0xFFFFFFB0]  }
0x6a: {  	v39 =	vld [tilespmem:s7+$0xFFFFFFC0];
	v31 =	vadd.f32 v55, v31;
	v56 =	vperm.xlane v27, v0  }
0x6b: {  	v57 =	vld [tilespmem:s8+$0xFFFFFFC0];
	v32 =	vadd.f32 v52, v34;
	v30 =	vadd.f32 v30, v35  }
0x6c: {  	v58 =	vld [tilespmem:s7+$0xFFFFFFD0];
	v27 =	vadd.f32 v27, v56;
	v59 =	vperm.xlane v31, v0  }
0x6d: {  	v41 =	vadd.f32 v32, v30;
	v36 =	vadd.f32 v36, v29;
	v29 =	vld [tilespmem:s8+$0xFFFFFFD0]  }
0x6e: {  	v42 =	vmul.f32 v32, v32;
	v44 =	vperm.xlane v27, v1;
	v31 =	vadd.f32 v59, v31  }
0x6f: {  	v43 =	vld [tilespmem:s7+$0xFFFFFFE0];
	v33 =	vadd.f32 v38, v37;
	v40 =	vmul.f32 v30, v30;
	v61 =	vadd.f32 v36, v41  }
0x70: {  	v60 =	vld [tilespmem:s8+$0xFFFFFFE0];
	v34 =	vadd.f32 v57, v39;
	v27 =	vadd.f32 v27, v44;
	v63 =	vperm.xlane v31, v1  }
0x71: {  	v40 =	vadd.f32 v42, v40;
	v48 =	vmul.f32 v36, v36;
	v38 =	vadd.f32 v33, v61  }
0x72: {  	v62 =	vld [tilespmem:s7+$0xFFFFFFF0];
	v35 =	vadd.f32 v29, v58;
	v29 =	vperm.xlane v27, v2;
	v31 =	vadd.f32 v63, v31  }
0x73: {  	v49 =	vld [tilespmem:s8+$0xFFFFFFF0];
	v50 =	vmul.f32 v33, v33;
	v39 =	vadd.f32 v48, v40  }
0x74: {  	v38 =	vadd.f32 v34, v38;
	v27 =	vadd.f32 v27, v29;
	v29 =	vperm.xlane v31, v2  }
0x75: {  	v37 =	vadd.f32 v60, v43;
	v51 =	vmul.f32 v34, v34;
	v39 =	vadd.f32 v50, v39  }
0x76: {  	v38 =	vadd.f32 v35, v38;
	v29 =	vadd.f32 v29, v31  }
0x77: {  	v39 =	vadd.f32 v51, v39;
	v52 =	vperm.xlane v27, v3;
	v31 =	vmul.f32 v35, v35  }
0x78: {  	v41 =	vadd.f32 v49, v62;
	v38 =	vadd.f32 v37, v38;
	v53 =	vperm.xlane v29, v3  }
0x79: {  	v54 =	vmul.f32 v37, v37;
	v27 =	vadd.f32 v27, v52;
	v31 =	vadd.f32 v31, v39  }
0x7a: {  	v38 =	vadd.f32 v41, v38;
	v29 =	vadd.f32 v53, v29  }
0x7b: {  	v39 =	vmul.f32 $7.812500000e-03, v27;
	v27 =	vmul.f32 v41, v41;
	v31 =	vadd.f32 v54, v31  }
0x7c: {  	v55 =	vperm.xlane v38, v0  }
0x7d: {  	v29 =	vmul.f32 $7.812500000e-03, v29;
	v56 =	vmul.f32 v39, v39;
	v27 =	vadd.f32 v27, v31;
	_ =	sdelay $0x1  }
0x7e: {  	v31 =	vadd.f32 v38, v55;
	v29 =	vsub.f32 v29, v56;
	v57 =	vperm.xlane v27, v0;
	_ =	sdelay $0x1  }
0x7f: {  	v40 =	vperm.xlane v31, v1;
	v29 =	vmax.f32 v29, $0.0e+00;
	v27 =	vadd.f32 v57, v27  }
0x80: {  	v29 =	vadd.f32 $9.999999960e-13, v29  }
0x81: {  	v31 =	vadd.f32 v31, v40;
	v38 =	vperm.xlane v27, v1  }
0x82: {  	v58 =	vshra.s32 v29, $0x1;
	v29 =	vmul.f32 $5.000000000e-01, v29  }
0x83: {  	v59 =	vperm.xlane v31, v2;
	v40 =	vsub.s32 $0x5F3759DF, v58;
	v27 =	vadd.f32 v38, v27  }
0x84: {  	v60 =	vmul.f32 v40, v29  }
0x85: {  	v31 =	vadd.f32 v31, v59;
	v61 =	vperm.xlane v27, v2  }
0x86: {  	v38 =	vmul.f32 v40, v60  }
0x87: {  	v62 =	vperm.xlane v31, v3;
	v27 =	vadd.f32 v61, v27  }
0x88: {  	v38 =	vsub.f32 $1.500000000e+00, v38  }
0x89: {  	v31 =	vadd.f32 v31, v62;
	v42 =	vperm.xlane v27, v3  }
0x8a: {  	v38 =	vmul.f32 v40, v38  }
0x8b: {  	v63 =	vmul.f32 $7.812500000e-03, v31;
	v27 =	vadd.f32 v42, v27  }
0x8c: {  	v31 =	vmul.f32 v38, v29  }
0x8d: {  	s10 =	simm.s32 $0x5280;
	v53 =	vmul.f32 v63, v63;
	v27 =	vmul.f32 $7.812500000e-03, v27  }
0x8e: {  	s5 =	simm.s32 $0x9280;
	v47 =	vld [tilespmem:s10+$0x10];
	v22 =	vsub.f32 v22, v39;
	v21 =	vsub.f32 v21, v39;
	v31 =	vmul.f32 v31, v38  }
0x8f: {  	v49 =	vld [tilespmem:s5+$0x10];
	v43 =	vsub.f32 v24, v39;
	v27 =	vsub.f32 v27, v53  }
0x90: {  	v45 =	vsub.f32 v26, v39;
	v56 =	vld [tilespmem:s10+$0x20];
	v31 =	vsub.f32 $1.500000000e+00, v31  }
0x91: {  	v46 =	vsub.f32 v28, v39;
	v58 =	vld [tilespmem:s5+$0x20];
	v42 =	vsub.f32 v23, v39;
	v23 =	vmax.f32 v27, $0.0e+00  }
0x92: {  	v54 =	vld [tilespmem:s5+$0x0];
	v20 =	vsub.f32 v20, v39;
	v24 =	vmul.f32 v31, v38;
	v23 =	vadd.f32 $9.999999960e-13, v23  }
0x93: {  	v28 =	vsub.f32 v32, v63;
	v31 =	vld [tilespmem:s10+$0x0];
	v38 =	vsub.f32 v25, v39  }
0x94: {  	v44 =	vld [tilespmem:s5+$0x70];
	v25 =	vmul.f32 v24, v29;
	v26 =	vshra.s32 v23, $0x1;
	v48 =	vmul.f32 $5.000000000e-01, v23  }
0x95: {  	v51 =	vld [tilespmem:s10+$0x30];
	v32 =	vadd.f32 v49, v47;
	v27 =	vsub.f32 v33, v63;
	v50 =	vsub.s32 $0x5F3759DF, v26  }
0x96: {  	v60 =	vld [tilespmem:s5+$0x30];
	v33 =	vadd.f32 v58, v56;
	v23 =	vmul.f32 v25, v24;
	v55 =	vmul.f32 v50, v48  }
0x97: {  	v61 =	vld [tilespmem:s10+$0x40];
	v47 =	vmul.f32 v32, v32;
	v29 =	vsub.f32 v30, v63;
	v30 =	vsub.f32 v36, v63  }
0x98: {  	v62 =	vld [tilespmem:s5+$0x40];
	v31 =	vadd.f32 v54, v31;
	v57 =	vsub.f32 $1.500000000e+00, v23;
	v59 =	vmul.f32 v50, v55  }
0x99: {  	v58 =	vld [tilespmem:s5+$0x50];
	v53 =	vmul.f32 v33, v33;
	v26 =	vsub.f32 v34, v63;
	v25 =	vsub.f32 v35, v63  }
0x9a: {  	v56 =	vld [tilespmem:s5+$0xFFFFFF90];
	v49 =	vadd.f32 v32, v31;
	v34 =	vmul.f32 v57, v24;
	v35 =	vsub.f32 $1.500000000e+00, v59  }
0x9b: {  	v23 =	vsub.f32 v37, v63;
	v24 =	vsub.f32 v41, v63;
	v63 =	vld [tilespmem:s10+$0x50];
	v57 =	vmul.f32 v31, v31  }
0x9c: {  	v37 =	vld [tilespmem:s10+$0x60];
	v49 =	vadd.f32 v33, v49;
	v20 =	vmul.f32 v34, v20;
	v35 =	vmul.f32 v50, v35  }
0x9d: {  	v50 =	vadd.f32 v60, v51;
	v47 =	vadd.f32 v47, v57;
	v51 =	vld [tilespmem:s5+$0x60];
	v40 =	vmul.f32 v34, v22  }
0x9e: {  	v54 =	vadd.f32 v62, v61;
	v55 =	vld [tilespmem:s10+$0xFFFFFF90];
	v20 =	vmul.f32 v20, v11;
	v52 =	vmul.f32 v35, v48  }
0x9f: {  	v22 =	vld [tilespmem:s10+$0xFFFFFF80];
	v59 =	vadd.f32 v50, v49;
	v47 =	vadd.f32 v53, v47;
	v61 =	vmul.f32 v50, v50  }
0xa0: {  	v41 =	vmul.f32 v34, v21;
	v36 =	vadd.f32 v58, v63;
	v39 =	vadd.f32 v20, v19;
	v20 =	vld [tilespmem:s10+$0x70]  }
0xa1: {  	v53 =	vld [tilespmem:s5+$0xFFFFFF80];
	v63 =	vmul.f32 v54, v54;
	v60 =	vmul.f32 v52, v35;
	v47 =	vadd.f32 v61, v47  }
0xa2: {  	v42 =	vmul.f32 v34, v42;
	v62 =	vadd.f32 v54, v59;
	v51 =	vadd.f32 v51, v37  }
0xa3: {  	v57 =	vld [tilespmem:s10+$0xFFFFFFB0];
	v49 =	vsub.f32 $1.500000000e+00, v60;
	v21 =	vadd.f32 v63, v47;
	v60 =	vmul.f32 v36, v36  }
0xa4: {  	v55 =	vadd.f32 v56, v55;
	v52 =	vld [tilespmem:s10+$0xFFFFFFA0];
	v59 =	vadd.f32 v36, v62;
	v61 =	vmul.f32 v51, v51  }
0xa5: {  	s6 =	simm.s32 $0xD180;
	v35 =	vmul.f32 v49, v35;
	v49 =	vld [tilespmem:s5+$0xFFFFFFA0];
	v21 =	vadd.f32 v60, v21;
	v20 =	vadd.f32 v44, v20  }
0xa6: {  	v58 =	vld [tilespmem:s5+$0xFFFFFFB0];
	[tilespmem:s6+$0x70] =	vst v39;
	v39 =	vmul.f32 v42, v6;
	v53 =	vadd.f32 v53, v22;
	v37 =	vadd.f32 v51, v59  }
0xa7: {  	v56 =	vld [tilespmem:s5+$0xFFFFFFC0];
	v60 =	vmul.f32 v55, v55;
	v62 =	vadd.f32 v61, v21;
	v63 =	vmul.f32 v20, v20  }
0xa8: {  	v59 =	vld [tilespmem:s10+$0xFFFFFFC0];
	v44 =	vmul.f32 v34, v43;
	v43 =	vmul.f32 v34, v38;
	v37 =	vadd.f32 v20, v37  }
0xa9: {  	v47 =	vmul.f32 v53, v53;
	v21 =	vmul.f32 v34, v45;
	v45 =	vld [tilespmem:s10+$0xFFFFFFD0];
	v38 =	vadd.f32 v63, v62  }
0xaa: {  	v61 =	vld [tilespmem:s5+$0xFFFFFFD0];
	v22 =	vperm.xlane v37, v0;
	v62 =	vadd.f32 v55, v53;
	v63 =	vadd.f32 v49, v52  }
0xab: {  	v57 =	vadd.f32 v58, v57;
	v48 =	vmul.f32 v35, v48;
	v47 =	vadd.f32 v60, v47  }
0xac: {  	v37 =	vadd.f32 v37, v22;
	v49 =	vperm.xlane v38, v0;
	v60 =	vadd.f32 v63, v62  }
0xad: {  	v52 =	vld [tilespmem:s10+$0xFFFFFFE0];
	v56 =	vadd.f32 v56, v59;
	v22 =	vmul.f32 v34, v46;
	v59 =	vmul.f32 v63, v63  }
0xae: {  	v34 =	vld [tilespmem:s5+$0xFFFFFFE0];
	v58 =	vperm.xlane v37, v1;
	v38 =	vadd.f32 v49, v38;
	v46 =	vadd.f32 v57, v60  }
0xaf: {  	v48 =	vmul.f32 v48, v35;
	v60 =	vadd.f32 v61, v45;
	v47 =	vadd.f32 v59, v47  }
0xb0: {  	v49 =	vld [tilespmem:s10+$0xFFFFFFF0];
	v59 =	vmul.f32 v57, v57;
	v37 =	vadd.f32 v37, v58;
	v61 =	vperm.xlane v38, v1  }
0xb1: {  	v42 =	vmul.f32 v43, v8;
	v48 =	vsub.f32 $1.500000000e+00, v48;
	v58 =	vld [tilespmem:s5+$0xFFFFFFF0];
	v46 =	vadd.f32 v56, v46  }
0xb2: {  	v47 =	vadd.f32 v59, v47;
	v38 =	vadd.f32 v61, v38;
	v45 =	vperm.xlane v37, v2  }
0xb3: {  	v61 =	vadd.f32 v34, v52;
	v34 =	vmul.f32 v56, v56;
	v46 =	vadd.f32 v60, v46  }
0xb4: {  	v35 =	vmul.f32 v48, v35;
	v37 =	vadd.f32 v37, v45;
	v45 =	vperm.xlane v38, v2  }
0xb5: {  	v62 =	vmul.f32 v60, v60;
	v34 =	vadd.f32 v34, v47;
	v46 =	vadd.f32 v61, v46  }
0xb6: {  	v58 =	vadd.f32 v58, v49;
	v49 =	vperm.xlane v37, v3;
	v38 =	vadd.f32 v45, v38  }
0xb7: {  	v30 =	vmul.f32 v35, v30;
	v59 =	vmul.f32 v61, v61;
	v34 =	vadd.f32 v62, v34  }
0xb8: {  	v46 =	vadd.f32 v58, v46;
	v37 =	vadd.f32 v37, v49;
	v62 =	vperm.xlane v38, v3  }
0xb9: {  	v52 =	vmul.f32 v58, v58;
	v49 =	vmul.f32 v35, v29;
	v29 =	vadd.f32 v59, v34  }
0xba: {  	v59 =	vperm.xlane v46, v0;
	v62 =	vadd.f32 v62, v38;
	v38 =	vmul.f32 $7.812500000e-03, v37  }
0xbb: {  	v27 =	vmul.f32 v35, v27;
	v47 =	vmul.f32 v35, v28;
	v28 =	vadd.f32 v52, v29  }
0xbc: {  	v34 =	vadd.f32 v46, v59;
	v29 =	vmul.f32 $7.812500000e-03, v62;
	v52 =	vmul.f32 v38, v38  }
0xbd: {  	v48 =	vmul.f32 v35, v26;
	v59 =	vperm.xlane v28, v0  }
0xbe: {  	v24 =	vmul.f32 v35, v24;
	v62 =	vperm.xlane v34, v1;
	v45 =	vsub.f32 v29, v52  }
0xbf: {  	v48 =	vmul.f32 v48, v8;
	v37 =	vsub.f32 v31, v38;
	v26 =	vadd.f32 v59, v28  }
0xc0: {  	v31 =	vsub.f32 v32, v38;
	v32 =	vadd.f32 v34, v62;
	v52 =	vmax.f32 v45, $0.0e+00  }
0xc1: {  	v29 =	vsub.f32 v33, v38;
	v59 =	vperm.xlane v26, v1;
	v33 =	vadd.f32 $9.999999960e-13, v52  }
0xc2: {  	v28 =	vsub.f32 v50, v38;
	v50 =	vmul.f32 v35, v23;
	v62 =	vperm.xlane v32, v2  }
0xc3: {  	v52 =	vadd.f32 v59, v26;
	v23 =	vshra.s32 v33, $0x1;
	v45 =	vmul.f32 $5.000000000e-01, v33  }
0xc4: {  	v49 =	vmul.f32 v49, v4;
	v32 =	vadd.f32 v32, v62;
	v33 =	vsub.s32 $0x5F3759DF, v23  }
0xc5: {  	v59 =	vperm.xlane v52, v2;
	v62 =	vmul.f32 v33, v45  }
0xc6: {  	v34 =	vmul.f32 v35, v25;
	v46 =	vperm.xlane v32, v3  }
0xc7: {  	v26 =	vsub.f32 v36, v38;
	v35 =	vadd.f32 v59, v52;
	v36 =	vmul.f32 v33, v62  }
0xc8: {  	v59 =	vmul.f32 v47, v5;
	v47 =	vmul.f32 v30, v6;
	v32 =	vadd.f32 v32, v46  }
0xc9: {  	v46 =	vmul.f32 v27, v7;
	v27 =	vperm.xlane v35, v3;
	v30 =	vsub.f32 $1.500000000e+00, v36  }
0xca: {  	v25 =	vsub.f32 v54, v38;
	v23 =	vsub.f32 v51, v38;
	v51 =	vmul.f32 $7.812500000e-03, v32  }
0xcb: {  	v54 =	vadd.f32 v49, v12;
	v27 =	vadd.f32 v27, v35;
	v62 =	vmul.f32 v33, v30  }
0xcc: {  	v49 =	vmul.f32 v50, v10;
	v30 =	vmul.f32 v51, v51;
	v36 =	vsub.f32 v53, v51  }
0xcd: {  	v35 =	vsub.f32 v63, v51;
	v27 =	vmul.f32 $7.812500000e-03, v27;
	v63 =	vmul.f32 v62, v45  }
0xce: {  	v52 =	vmul.f32 v34, v9;
	v34 =	vsub.f32 v55, v51;
	v33 =	vsub.f32 v57, v51  }
0xcf: {  	v32 =	vsub.f32 v56, v51;
	v57 =	vsub.f32 v27, v30;
	v53 =	vmul.f32 v63, v62  }
0xd0: {  	v50 =	vmul.f32 v24, v11;
	v24 =	vsub.f32 v58, v51;
	v30 =	vsub.f32 v60, v51  }
0xd1: {  	v27 =	vsub.f32 v61, v51;
	v61 =	vmax.f32 v57, $0.0e+00;
	v63 =	vsub.f32 $1.500000000e+00, v53  }
0xd2: {  	v51 =	vmul.f32 v40, v4;
	v53 =	vmul.f32 v41, v5;
	v55 =	vadd.f32 $9.999999960e-13, v61  }
0xd3: {  	s7 =	simm.s32 $0xD180;
	s8 =	simm.s32 $0x2;
	s10 =	simm.s32 $0x5380;
	[tilespmem:s6+$0xFFFFFF80] =	vst v54;
	v40 =	vadd.f32 v59, v13;
	v41 =	vmul.f32 v44, v7;
	v54 =	vmul.f32 v63, v62  }
.LBB2_3:
0xd4: {  	v43 =	vld [tilespmem:s10+$0x0];
	v44 =	vshra.s32 v55, $0x1;
	v55 =	vmul.f32 $5.000000000e-01, v55;
	s5 =	sadd.s32 $0x100, s5;
	v56 =	vmul.f32 v21, v9  }
0xd5: {  	v21 =	vld [tilespmem:s5+$0x0];
	v44 =	vsub.s32 $0x5F3759DF, v44;
	v45 =	vmul.f32 v54, v45;
	[tilespmem:s6+$0xFFFFFF90] =	vst v40;
	v40 =	vmul.f32 v22, v10  }
0xd6: {  	v47 =	vadd.f32 v47, v14;
	v46 =	vadd.f32 v46, v15;
	v22 =	vld [tilespmem:s10+$0x10];
	v57 =	vmul.f32 v44, v55  }
0xd7: {  	v48 =	vadd.f32 v48, v16;
	v52 =	vadd.f32 v52, v17;
	v58 =	vld [tilespmem:s5+$0x10];
	v45 =	vmul.f32 v45, v54  }
0xd8: {  	s8 =	sadd.s32 $0x2, s8;
	v59 =	vld [tilespmem:s10+$0x30];
	v57 =	vmul.f32 v44, v57;
	[tilespmem:s6+$0xFFFFFFA0] =	vst v47;
	v47 =	vadd.f32 v49, v18;
	v49 =	vadd.f32 v50, v19  }
0xd9: {  	v51 =	vadd.f32 v51, v12;
	p2 =	slt.u32 s8, $0x3E;
	v50 =	vld [tilespmem:s10+$0x20];
	v45 =	vsub.f32 $1.500000000e+00, v45;
	[tilespmem:s6+$0xFFFFFFB0] =	vst v46  }
0xda: {  	v60 =	vld [tilespmem:s5+$0x20];
	v57 =	vsub.f32 $1.500000000e+00, v57;
	[tilespmem:s6+$0xFFFFFFC0] =	vst v48;
	v48 =	vadd.f32 v53, v13  }
0xdb: {  	v20 =	vsub.f32 v20, v38;
	v38 =	vadd.f32 v39, v14;
	v53 =	vld [tilespmem:s5+$0x30];
	v61 =	vmul.f32 v45, v54;
	[tilespmem:s6+$0xFFFFFFD0] =	vst v52  }
0xdc: {  	v45 =	vadd.f32 v21, v43;
	v46 =	vadd.f32 v58, v22;
	v21 =	vld [tilespmem:s10+$0x40];
	v22 =	vmul.f32 v44, v57;
	[tilespmem:s6+$0xFFFFFFE0] =	vst v47  }
0xdd: {  	v43 =	vld [tilespmem:s5+$0x40];
	v39 =	vmul.f32 v61, v37;
	v20 =	vmul.f32 v61, v20;
	[tilespmem:s6+$0xFFFFFFF0] =	vst v49;
	v37 =	vadd.f32 v41, v15  }
0xde: {  	v42 =	vadd.f32 v42, v16;
	v41 =	vmul.f32 v45, v45;
	v44 =	vld [tilespmem:s10+$0x50];
	v49 =	vmul.f32 v46, v46;
	[tilespmem:s6+$0x0] =	vst v51  }
0xdf: {  	v51 =	vadd.f32 v46, v45;
	v47 =	vadd.f32 v60, v50;
	v50 =	vld [tilespmem:s5+$0x50];
	v20 =	vmul.f32 v20, v11;
	[tilespmem:s6+$0x10] =	vst v48  }
0xe0: {  	v48 =	vadd.f32 v53, v59;
	v53 =	vld [tilespmem:s10+$0x60];
	v52 =	vadd.f32 v49, v41;
	v41 =	vmul.f32 v22, v55;
	[tilespmem:s6+$0x20] =	vst v38  }
0xe1: {  	v38 =	vld [tilespmem:s5+$0x60];
	v51 =	vadd.f32 v47, v51;
	v54 =	vmul.f32 v47, v47;
	v20 =	vadd.f32 v20, v19;
	[tilespmem:s6+$0x30] =	vst v37  }
0xe2: {  	s6 =	sadd.s32 $0x100, s6;
	v49 =	vadd.f32 v43, v21;
	v21 =	vld [tilespmem:s10+$0x70];
	v37 =	vmul.f32 v41, v22;
	v41 =	vmul.f32 v61, v31;
	[tilespmem:s7+$0x40] =	vst v42  }
0xe3: {  	v31 =	vld [tilespmem:s5+$0x70];
	v43 =	vadd.f32 v54, v52;
	v51 =	vadd.f32 v48, v51;
	v54 =	vmul.f32 v48, v48;
	[tilespmem:s6+$0x70] =	vst v20  }
0xe4: {  	v42 =	vmul.f32 v61, v29;
	v57 =	vld [tilespmem:s5+$0xFFFFFF80];
	v52 =	vadd.f32 v50, v44;
	v20 =	vsub.f32 $1.500000000e+00, v37  }
0xe5: {  	v50 =	vmul.f32 v49, v49;
	v29 =	vld [tilespmem:s10+$0xFFFFFF90];
	v37 =	vadd.f32 v54, v43;
	v44 =	vadd.f32 v49, v51  }
0xe6: {  	v43 =	vmul.f32 v61, v28;
	v51 =	vld [tilespmem:s5+$0xFFFFFF90];
	v54 =	vadd.f32 v38, v53;
	v38 =	vmul.f32 v20, v22  }
0xe7: {  	v22 =	vld [tilespmem:s10+$0xFFFFFF80];
	v28 =	vadd.f32 v50, v37;
	v37 =	vadd.f32 v52, v44;
	v50 =	vmul.f32 v52, v52  }
0xe8: {  	v44 =	vmul.f32 v61, v25;
	v53 =	vld [tilespmem:s10+$0xFFFFFFA0];
	v20 =	vadd.f32 v31, v21;
	v21 =	vmul.f32 v38, v55  }
0xe9: {  	v25 =	vld [tilespmem:s5+$0xFFFFFFA0];
	v28 =	vadd.f32 v50, v28;
	v31 =	vadd.f32 v54, v37;
	v37 =	vmul.f32 v54, v54  }
0xea: {  	v55 =	vld [tilespmem:s10+$0xFFFFFFB0];
	v58 =	vmul.f32 v21, v38;
	v21 =	vmul.f32 v61, v26;
	v26 =	vadd.f32 v56, v17  }
0xeb: {  	v56 =	vld [tilespmem:s5+$0xFFFFFFB0];
	v28 =	vadd.f32 v37, v28;
	v31 =	vadd.f32 v20, v31;
	v37 =	vmul.f32 v20, v20  }
0xec: {  	v51 =	vadd.f32 v51, v29;
	v50 =	vadd.f32 v57, v22;
	v29 =	vld [tilespmem:s10+$0xFFFFFFC0];
	v22 =	vmul.f32 v61, v23;
	[tilespmem:s7+$0x50] =	vst v26  }
0xed: {  	v23 =	vld [tilespmem:s5+$0xFFFFFFC0];
	v26 =	vadd.f32 v37, v28;
	v28 =	vperm.xlane v31, v0;
	v37 =	vsub.f32 $1.500000000e+00, v58  }
0xee: {  	v60 =	vmul.f32 v51, v51;
	v57 =	vld [tilespmem:s10+$0xFFFFFFD0];
	v58 =	vmul.f32 v50, v50;
	v59 =	vadd.f32 v51, v50  }
0xef: {  	v53 =	vadd.f32 v25, v53;
	v25 =	vld [tilespmem:s5+$0xFFFFFFD0];
	v28 =	vadd.f32 v31, v28;
	v31 =	vperm.xlane v26, v0  }
0xf0: {  	v55 =	vadd.f32 v56, v55;
	v61 =	vld [tilespmem:s10+$0xFFFFFFE0];
	v58 =	vadd.f32 v60, v58;
	v60 =	vmul.f32 v37, v38  }
0xf1: {  	v38 =	vadd.f32 v53, v59;
	v37 =	vld [tilespmem:s5+$0xFFFFFFE0];
	v59 =	vperm.xlane v28, v1;
	v26 =	vadd.f32 v31, v26  }
0xf2: {  	v56 =	vadd.f32 v23, v29;
	v23 =	vld [tilespmem:s10+$0xFFFFFFF0];
	v29 =	vmul.f32 v53, v53;
	v31 =	vmul.f32 v55, v55  }
0xf3: {  	v38 =	vadd.f32 v55, v38;
	v62 =	vld [tilespmem:s5+$0xFFFFFFF0];
	v28 =	vadd.f32 v28, v59;
	v59 =	vperm.xlane v26, v1  }
0xf4: {  	v57 =	vadd.f32 v25, v57;
	v25 =	vadd.f32 v29, v58;
	v29 =	vmul.f32 v56, v56  }
0xf5: {  	v38 =	vadd.f32 v56, v38;
	v58 =	vperm.xlane v28, v2;
	v26 =	vadd.f32 v59, v26  }
0xf6: {  	v59 =	vadd.f32 v37, v61;
	v25 =	vadd.f32 v31, v25;
	v31 =	vmul.f32 v57, v57  }
0xf7: {  	v37 =	vadd.f32 v57, v38;
	v28 =	vadd.f32 v28, v58;
	v38 =	vperm.xlane v26, v2  }
0xf8: {  	v58 =	vadd.f32 v62, v23;
	v23 =	vadd.f32 v29, v25;
	v25 =	vmul.f32 v59, v59  }
0xf9: {  	v29 =	vadd.f32 v59, v37;
	v37 =	vperm.xlane v28, v3;
	v26 =	vadd.f32 v38, v26  }
0xfa: {  	v36 =	vmul.f32 v60, v36;
	v23 =	vadd.f32 v31, v23;
	v31 =	vmul.f32 v58, v58  }
0xfb: {  	v29 =	vadd.f32 v58, v29;
	v28 =	vadd.f32 v28, v37;
	v37 =	vperm.xlane v26, v3  }
0xfc: {  	v34 =	vmul.f32 v60, v34;
	v35 =	vmul.f32 v60, v35;
	v23 =	vadd.f32 v25, v23  }
0xfd: {  	v25 =	vperm.xlane v29, v0;
	v26 =	vadd.f32 v37, v26;
	v38 =	vmul.f32 $7.812500000e-03, v28  }
0xfe: {  	v33 =	vmul.f32 v60, v33;
	v32 =	vmul.f32 v60, v32;
	v23 =	vadd.f32 v31, v23  }
0xff: {  	v25 =	vadd.f32 v29, v25;
	v26 =	vmul.f32 $7.812500000e-03, v26;
	v28 =	vmul.f32 v38, v38  }
0x100: {  	v37 =	vsub.f32 v45, v38;
	v31 =	vsub.f32 v46, v38;
	v61 =	vperm.xlane v23, v0  }
0x101: {  	v29 =	vsub.f32 v47, v38;
	v45 =	vperm.xlane v25, v1;
	v26 =	vsub.f32 v26, v28  }
0x102: {  	v30 =	vmul.f32 v60, v30;
	v28 =	vsub.f32 v48, v38;
	v46 =	vadd.f32 v61, v23  }
0x103: {  	v47 =	vadd.f32 v25, v45;
	v25 =	vsub.f32 v49, v38;
	v23 =	vmax.f32 v26, $0.0e+00  }
0x104: {  	v26 =	vsub.f32 v52, v38;
	v45 =	vperm.xlane v46, v1;
	v48 =	vadd.f32 $9.999999960e-13, v23  }
0x105: {  	v27 =	vmul.f32 v60, v27;
	v49 =	vperm.xlane v47, v2;
	v23 =	vsub.f32 v54, v38  }
0x106: {  	v46 =	vadd.f32 v45, v46;
	v52 =	vshra.s32 v48, $0x1;
	v45 =	vmul.f32 $5.000000000e-01, v48  }
0x107: {  	v24 =	vmul.f32 v60, v24;
	v47 =	vadd.f32 v47, v49;
	v49 =	vsub.s32 $0x5F3759DF, v52  }
0x108: {  	v40 =	vadd.f32 v40, v18;
	v48 =	vperm.xlane v46, v2;
	v52 =	vmul.f32 v49, v45  }
0x109: {  	v36 =	vmul.f32 v36, v4;
	v54 =	vperm.xlane v47, v3  }
0x10a: {  	v61 =	vmul.f32 v34, v5;
	v60 =	vadd.f32 v48, v46;
	v48 =	vmul.f32 v49, v52;
	[tilespmem:s7+$0x60] =	vst v40;
	s7 =	smov.u32 s6  }
0x10b: {  	v34 =	vadd.f32 v47, v54;
	v47 =	vmul.f32 v35, v6;
	v46 =	vmul.f32 v33, v7  }
0x10c: {  	v33 =	vperm.xlane v60, v3;
	v35 =	vsub.f32 $1.500000000e+00, v48;
	v48 =	vmul.f32 v32, v8  }
0x10d: {  	v52 =	vmul.f32 v30, v9;
	v40 =	vmul.f32 $7.812500000e-03, v34;
	v32 =	vadd.f32 v36, v12  }
0x10e: {  	v30 =	vadd.f32 v33, v60;
	v54 =	vmul.f32 v49, v35;
	v49 =	vmul.f32 v27, v10  }
0x10f: {  	v27 =	vmul.f32 v40, v40;
	v36 =	vsub.f32 v50, v40;
	v34 =	vsub.f32 v51, v40;
	[tilespmem:s6+$0xFFFFFF80] =	vst v32  }
0x110: {  	v35 =	vsub.f32 v53, v40;
	v30 =	vmul.f32 $7.812500000e-03, v30;
	v51 =	vmul.f32 v54, v45  }
0x111: {  	v33 =	vsub.f32 v55, v40;
	v50 =	vmul.f32 v24, v11;
	v32 =	vsub.f32 v56, v40  }
.Ltmp0:
0x112: {  	v53 =	vsub.f32 v30, v27;
	v30 =	vsub.f32 v57, v40;
	v55 =	vmul.f32 v51, v54;
	(pc) =	sbr.rel @p2 .LBB2_3-.Ltmp0, $4  }
0x113: {  	v24 =	vsub.f32 v58, v40;
	v27 =	vsub.f32 v59, v40;
	v51 =	vmul.f32 v39, v4  }
0x114: {  	v39 =	vmax.f32 v53, $0.0e+00;
	v40 =	vsub.f32 $1.500000000e+00, v55;
	v53 =	vmul.f32 v41, v5  }
0x115: {  	v41 =	vmul.f32 v43, v7;
	v55 =	vadd.f32 $9.999999960e-13, v39;
	v39 =	vmul.f32 v42, v6  }
0x116: {  	s10 =	sadd.s32 $0x100, s10;
	v42 =	vmul.f32 v44, v8;
	v54 =	vmul.f32 v40, v54;
	v40 =	vadd.f32 v61, v13  }
0x117: {  	v43 =	vshra.s32 v55, $0x1;
	v44 =	vmul.f32 $5.000000000e-01, v55  }
0x118: {  	v43 =	vsub.s32 $0x5F3759DF, v43  }
0x119: {  	v55 =	vmul.f32 v43, v44;
	_ =	sdelay $0x1  }
0x11a: {  	v55 =	vmul.f32 v43, v55;
	_ =	sdelay $0x1  }
0x11b: {  	v55 =	vsub.f32 $1.500000000e+00, v55;
	_ =	sdelay $0x1  }
0x11c: {  	v43 =	vmul.f32 v43, v55;
	_ =	sdelay $0x1  }
0x11d: {  	v55 =	vmul.f32 v43, v44;
	_ =	sdelay $0x1  }
0x11e: {  	v55 =	vmul.f32 v55, v43  }
0x11f: {  	v47 =	vadd.f32 v47, v14  }
0x120: {  	v57 =	vadd.f32 v46, v15;
	v45 =	vmul.f32 v54, v45;
	[tilespmem:s6+$0xFFFFFF90] =	vst v40;
	v55 =	vsub.f32 $1.500000000e+00, v55  }
0x121: {  	v58 =	vadd.f32 v48, v16;
	[tilespmem:s6+$0xFFFFFFA0] =	vst v47  }
0x122: {  	v59 =	vadd.f32 v52, v17;
	[tilespmem:s6+$0xFFFFFFB0] =	vst v57;
	v45 =	vmul.f32 v45, v54;
	v43 =	vmul.f32 v55, v43  }
0x123: {  	v60 =	vadd.f32 v49, v18;
	[tilespmem:s6+$0xFFFFFFC0] =	vst v58  }
0x124: {  	v61 =	vadd.f32 v50, v19;
	[tilespmem:s6+$0xFFFFFFD0] =	vst v59;
	v45 =	vsub.f32 $1.500000000e+00, v45;
	v44 =	vmul.f32 v43, v44  }
0x125: {  	v20 =	vsub.f32 v20, v38;
	v62 =	vadd.f32 v51, v12;
	[tilespmem:s6+$0xFFFFFFE0] =	vst v60  }
0x126: {  	v48 =	vadd.f32 v53, v13;
	[tilespmem:s6+$0xFFFFFFF0] =	vst v61;
	v45 =	vmul.f32 v45, v54;
	v44 =	vmul.f32 v44, v43  }
0x127: {  	v39 =	vadd.f32 v39, v14;
	v50 =	vadd.f32 v41, v15;
	v22 =	vmul.f32 v22, v10;
	[tilespmem:s6+$0x0] =	vst v62  }
0x128: {  	v21 =	vmul.f32 v21, v9;
	[tilespmem:s6+$0x10] =	vst v48;
	v20 =	vmul.f32 v45, v20;
	v63 =	vsub.f32 $1.500000000e+00, v44  }
0x129: {  	[tilespmem:s6+$0x20] =	vst v39;
	v22 =	vadd.f32 v22, v18;
	v57 =	vmul.f32 v45, v37;
	v31 =	vmul.f32 v45, v31  }
0x12a: {  	v51 =	vadd.f32 v42, v16;
	[tilespmem:s6+$0x30] =	vst v50;
	v20 =	vmul.f32 v20, v11;
	v49 =	vmul.f32 v63, v43  }
0x12b: {  	v21 =	vadd.f32 v21, v17;
	[tilespmem:s7+$0x60] =	vst v22;
	v23 =	vmul.f32 v45, v23;
	v22 =	vmul.f32 v57, v4  }
0x12c: {  	[tilespmem:s7+$0x40] =	vst v51;
	v59 =	vmul.f32 v31, v5;
	v20 =	vadd.f32 v20, v19;
	v36 =	vmul.f32 v49, v36  }
0x12d: {  	s5 =	sadd.s32 $0x100, s6;
	[tilespmem:s7+$0x50] =	vst v21;
	v23 =	vmul.f32 v23, v10;
	v22 =	vadd.f32 v22, v12;
	v34 =	vmul.f32 v49, v34  }
0x12e: {  	v60 =	vadd.f32 v59, v13;
	[tilespmem:s5+$0x70] =	vst v20;
	v35 =	vmul.f32 v49, v35;
	v36 =	vmul.f32 v36, v4  }
0x12f: {  	[tilespmem:s5+$0x0] =	vst v22;
	v63 =	vadd.f32 v23, v18;
	v20 =	vmul.f32 v49, v33;
	v52 =	vmul.f32 v34, v5  }
0x130: {  	[tilespmem:s5+$0x10] =	vst v60;
	v53 =	vmul.f32 v49, v32;
	v54 =	vmul.f32 v35, v6;
	v55 =	vadd.f32 v36, v12  }
0x131: {  	v30 =	vmul.f32 v49, v30;
	[tilespmem:s5+$0x60] =	vst v63;
	v20 =	vmul.f32 v20, v7;
	v56 =	vadd.f32 v52, v13  }
0x132: {  	v24 =	vmul.f32 v49, v24;
	v21 =	vmul.f32 v53, v8;
	v32 =	vadd.f32 v54, v14;
	[tilespmem:s5+$0xFFFFFF80] =	vst v55  }
0x133: {  	v27 =	vmul.f32 v49, v27;
	v30 =	vmul.f32 v30, v9;
	v20 =	vadd.f32 v20, v15;
	[tilespmem:s5+$0xFFFFFF90] =	vst v56  }
0x134: {  	v25 =	vmul.f32 v45, v25;
	v24 =	vmul.f32 v24, v11;
	v21 =	vadd.f32 v21, v16;
	[tilespmem:s5+$0xFFFFFFA0] =	vst v32  }
0x135: {  	v27 =	vmul.f32 v27, v10;
	v30 =	vadd.f32 v30, v17;
	[tilespmem:s5+$0xFFFFFFB0] =	vst v20;
	v20 =	vmul.f32 v45, v29  }
0x136: {  	v58 =	vmul.f32 v45, v28;
	v61 =	vmul.f32 v25, v8;
	v24 =	vadd.f32 v24, v19;
	[tilespmem:s5+$0xFFFFFFC0] =	vst v21  }
0x137: {  	v26 =	vmul.f32 v45, v26;
	v27 =	vadd.f32 v27, v18;
	[tilespmem:s5+$0xFFFFFFD0] =	vst v30;
	v20 =	vmul.f32 v20, v6  }
0x138: {  	v21 =	vmul.f32 v58, v7;
	[tilespmem:s5+$0xFFFFFFF0] =	vst v24;
	v24 =	vadd.f32 v61, v16  }
0x139: {  	p2 =	sne.s32 s14, $0x31;
	v62 =	vmul.f32 v26, v9;
	[tilespmem:s5+$0xFFFFFFE0] =	vst v27;
	v20 =	vadd.f32 v20, v14  }
.Ltmp1:
0x13a: {  	s8 =	sshll.u32 s14, $0xE;
	v21 =	vadd.f32 v21, v15;
	[tilespmem:s5+$0x40] =	vst v24;
	(pc) =	sbr.rel @p2 .LBB2_6-.Ltmp1, $4  }
0x13b: {  	s6 =	sadd.s32 s9, s8;
	[tilespmem:s5+$0x20] =	vst v20;
	v20 =	vadd.f32 v62, v17  }
0x13c: {  	s6 =	sshrl.u32 s6, $0x3;
	[tilespmem:s5+$0x30] =	vst v21  }
0x13d: {  	s10 =	sadd.s32 s1, s6;
	[tilespmem:s5+$0x50] =	vst v20  }
0x13e: {  	[hbm4b:s10+s4] =	stream.linear.scatter [tilespmem:s25], [sflag:$0x7], $0x2000, $0x38;
	[tilespmem:$0x1CD40] =	vst v63  }
0x13f: {  	_ =	swait.ge [sflag:s26], $0x2000  }
.Ltmp2:
0x140: {  	[sflag:s26] =	ssyncset.done $0x0;
	(pc) =	sbr.rel .LBB2_7-.Ltmp2, $4  }
0x141: {  	[sflag:s26] =	ssyncadd.s32 $0xFFFFE000  }
0x142: {  	_ =	swait.ge [sflag:s28], $0x2000  }
0x143: {  	[sflag:s28] =	ssyncset.done $0x0  }
0x144: {  	[sflag:s28] =	ssyncadd.s32 $0xFFFFE000  }
.LBB2_6:
0x145: {  	s5 =	sadd.s32 $0x80, s13;
	s13 =	sshll.u32 s14, $0x8  }
0x146: {  	[tilespmem:s16], [sflag:$0x1] =	stream.indirect.gather [hbm4b:s0+s15], $0x80, s5, s15, $0xb8;
	[tilespmem:$0x1CD40] =	vst v63  }
0x147: {  	s5 =	sand.u32 $0x3FFFFF00, s13  }
0x148: {  	s6 =	sadd.s32 $0x1D00, s5  }
0x149: {  	[tilespmem:s17], [sflag:$0x3] =	stream.indirect.gather [spmem:s3], $0x80, s6, s15, $0xb8;
	[tilespmem:$0x1CD40] =	vst v63  }
0x14a: {  	_ =	swait.ge [sflag:s26], $0x2000  }
0x14b: {  	[sflag:s26] =	ssyncset.done $0x0  }
0x14c: {  	[sflag:s26] =	ssyncadd.s32 $0xFFFFE000  }
0x14d: {  	_ =	swait.ge [sflag:s28], $0x2000  }
0x14e: {  	[sflag:s28] =	ssyncset.done $0x0  }
.Ltmp3:
0x14f: {  	[sflag:s28] =	ssyncadd.s32 $0xFFFFE000;
	(pc) =	sbr.rel @p1 .LBB2_8-.Ltmp3, $4  }
0x150: {  	_ =	swait.ge [sflag:s18], $0x2000  }
0x151: {  	[sflag:s18] =	ssyncset.done $0x0  }
0x152: {  	s5 =	sadd.s32 $0x1D40, s5;
	[sflag:s18] =	ssyncadd.s32 $0xFFFFE000  }
0x153: {  	[tilespmem:s17], [sflag:$0x5] =	stream.indirect.gather.add.f32 [spmem:s3], $0x80, s5, s15, $0xb8;
	[tilespmem:$0x1CD40] =	vst v63  }
.LBB2_7:
0x154: {  	_ =	swait.ge [sflag:s29], $0x2000  }
0x155: {  	[sflag:s29] =	ssyncset.done $0x0  }
0x156: {  	[sflag:s29] =	ssyncadd.s32 $0xFFFFE000  }
.LBB2_8:
0x157: {  	s6 =	simm.s32 $0x7180  }
0x158: {  	s5 =	simm.s32 $0xB180;
	v20 =	vld [tilespmem:s6+$0x0]  }
0x159: {  	v21 =	vld [tilespmem:s5+$0x0]  }
0x15a: {  	v23 =	vld [tilespmem:s6+$0x10]  }
0x15b: {  	v24 =	vld [tilespmem:s5+$0x10]  }
0x15c: {  	v26 =	vld [tilespmem:s6+$0x20]  }
0x15d: {  	v27 =	vld [tilespmem:s5+$0x20]  }
0x15e: {  	v25 =	vld [tilespmem:s6+$0x30]  }
0x15f: {  	v28 =	vld [tilespmem:s5+$0x30]  }
0x160: {  	v29 =	vld [tilespmem:s5+$0x40]  }
0x161: {  	v22 =	vadd.f32 v21, v20;
	v20 =	vld [tilespmem:s6+$0x40];
	v21 =	vadd.f32 v24, v23  }
0x162: {  	v30 =	vld [tilespmem:s6+$0x50];
	v23 =	vadd.f32 v27, v26  }
0x163: {  	v26 =	vld [tilespmem:s5+$0x50];
	v31 =	vmul.f32 v22, v22;
	v32 =	vmul.f32 v21, v21;
	v27 =	vadd.f32 v21, v22  }
0x164: {  	v49 =	vld [tilespmem:s5+$0x60];
	v24 =	vadd.f32 v28, v25  }
0x165: {  	v28 =	vld [tilespmem:s6+$0x60];
	v33 =	vmul.f32 v23, v23;
	v31 =	vadd.f32 v32, v31;
	v27 =	vadd.f32 v23, v27  }
0x166: {  	v25 =	vadd.f32 v29, v20;
	v20 =	vld [tilespmem:s6+$0x70]  }
0x167: {  	v50 =	vmul.f32 v24, v24;
	v29 =	vld [tilespmem:s5+$0x70];
	v31 =	vadd.f32 v33, v31;
	v27 =	vadd.f32 v24, v27  }
0x168: {  	v26 =	vadd.f32 v26, v30  }
0x169: {  	v34 =	vld [tilespmem:s6+$0xFFFFFF90];
	v51 =	vmul.f32 v25, v25;
	v31 =	vadd.f32 v50, v31;
	v27 =	vadd.f32 v25, v27  }
0x16a: {  	v52 =	vld [tilespmem:s5+$0xFFFFFF90];
	v28 =	vadd.f32 v49, v28  }
0x16b: {  	v35 =	vld [tilespmem:s6+$0xFFFFFF80];
	v53 =	vmul.f32 v26, v26;
	v31 =	vadd.f32 v51, v31;
	v27 =	vadd.f32 v26, v27  }
0x16c: {  	v36 =	vld [tilespmem:s5+$0xFFFFFFA0];
	v20 =	vadd.f32 v29, v20  }
0x16d: {  	v30 =	vld [tilespmem:s5+$0xFFFFFF80];
	v54 =	vmul.f32 v28, v28;
	v31 =	vadd.f32 v53, v31;
	v27 =	vadd.f32 v28, v27  }
0x16e: {  	v37 =	vld [tilespmem:s6+$0xFFFFFFB0]  }
0x16f: {  	v29 =	vld [tilespmem:s6+$0xFFFFFFA0];
	v55 =	vmul.f32 v20, v20;
	v31 =	vadd.f32 v54, v31;
	v27 =	vadd.f32 v20, v27  }
0x170: {  	v38 =	vld [tilespmem:s5+$0xFFFFFFB0]  }
0x171: {  	v39 =	vld [tilespmem:s6+$0xFFFFFFC0];
	v31 =	vadd.f32 v55, v31;
	v56 =	vperm.xlane v27, v0  }
0x172: {  	v57 =	vld [tilespmem:s5+$0xFFFFFFC0];
	v32 =	vadd.f32 v52, v34;
	v30 =	vadd.f32 v30, v35  }
0x173: {  	v58 =	vld [tilespmem:s6+$0xFFFFFFD0];
	v27 =	vadd.f32 v27, v56;
	v59 =	vperm.xlane v31, v0  }
0x174: {  	v41 =	vadd.f32 v32, v30;
	v36 =	vadd.f32 v36, v29;
	v29 =	vld [tilespmem:s5+$0xFFFFFFD0]  }
0x175: {  	v42 =	vmul.f32 v32, v32;
	v44 =	vperm.xlane v27, v1;
	v31 =	vadd.f32 v59, v31  }
0x176: {  	v43 =	vld [tilespmem:s6+$0xFFFFFFE0];
	v33 =	vadd.f32 v38, v37;
	v40 =	vmul.f32 v30, v30;
	v61 =	vadd.f32 v36, v41  }
0x177: {  	v60 =	vld [tilespmem:s5+$0xFFFFFFE0];
	v34 =	vadd.f32 v57, v39;
	v27 =	vadd.f32 v27, v44;
	v63 =	vperm.xlane v31, v1  }
0x178: {  	v40 =	vadd.f32 v42, v40;
	v48 =	vmul.f32 v36, v36;
	v38 =	vadd.f32 v33, v61  }
0x179: {  	v62 =	vld [tilespmem:s6+$0xFFFFFFF0];
	v35 =	vadd.f32 v29, v58;
	v29 =	vperm.xlane v27, v2;
	v31 =	vadd.f32 v63, v31  }
0x17a: {  	v49 =	vld [tilespmem:s5+$0xFFFFFFF0];
	v50 =	vmul.f32 v33, v33;
	v39 =	vadd.f32 v48, v40  }
0x17b: {  	v38 =	vadd.f32 v34, v38;
	v27 =	vadd.f32 v27, v29;
	v29 =	vperm.xlane v31, v2  }
0x17c: {  	v37 =	vadd.f32 v60, v43;
	v51 =	vmul.f32 v34, v34;
	v39 =	vadd.f32 v50, v39  }
0x17d: {  	v38 =	vadd.f32 v35, v38;
	v29 =	vadd.f32 v29, v31  }
0x17e: {  	v39 =	vadd.f32 v51, v39;
	v52 =	vperm.xlane v27, v3;
	v31 =	vmul.f32 v35, v35  }
0x17f: {  	v41 =	vadd.f32 v49, v62;
	v38 =	vadd.f32 v37, v38;
	v53 =	vperm.xlane v29, v3  }
0x180: {  	v54 =	vmul.f32 v37, v37;
	v27 =	vadd.f32 v27, v52;
	v31 =	vadd.f32 v31, v39  }
0x181: {  	v38 =	vadd.f32 v41, v38;
	v29 =	vadd.f32 v53, v29  }
0x182: {  	v39 =	vmul.f32 $7.812500000e-03, v27;
	v27 =	vmul.f32 v41, v41;
	v31 =	vadd.f32 v54, v31  }
0x183: {  	v55 =	vperm.xlane v38, v0  }
0x184: {  	v29 =	vmul.f32 $7.812500000e-03, v29;
	v56 =	vmul.f32 v39, v39;
	v27 =	vadd.f32 v27, v31;
	_ =	sdelay $0x1  }
0x185: {  	v31 =	vadd.f32 v38, v55;
	v29 =	vsub.f32 v29, v56;
	v57 =	vperm.xlane v27, v0;
	_ =	sdelay $0x1  }
0x186: {  	v40 =	vperm.xlane v31, v1;
	v29 =	vmax.f32 v29, $0.0e+00;
	v27 =	vadd.f32 v57, v27  }
0x187: {  	v29 =	vadd.f32 $9.999999960e-13, v29  }
0x188: {  	v31 =	vadd.f32 v31, v40;
	v38 =	vperm.xlane v27, v1  }
0x189: {  	v58 =	vshra.s32 v29, $0x1;
	v29 =	vmul.f32 $5.000000000e-01, v29  }
0x18a: {  	v59 =	vperm.xlane v31, v2;
	v40 =	vsub.s32 $0x5F3759DF, v58;
	v27 =	vadd.f32 v38, v27  }
0x18b: {  	v60 =	vmul.f32 v40, v29  }
0x18c: {  	v31 =	vadd.f32 v31, v59;
	v61 =	vperm.xlane v27, v2  }
0x18d: {  	v38 =	vmul.f32 v40, v60  }
0x18e: {  	v62 =	vperm.xlane v31, v3;
	v27 =	vadd.f32 v61, v27  }
0x18f: {  	v38 =	vsub.f32 $1.500000000e+00, v38  }
0x190: {  	v31 =	vadd.f32 v31, v62;
	v42 =	vperm.xlane v27, v3  }
0x191: {  	v38 =	vmul.f32 v40, v38  }
0x192: {  	v63 =	vmul.f32 $7.812500000e-03, v31;
	v27 =	vadd.f32 v42, v27  }
0x193: {  	v31 =	vmul.f32 v38, v29  }
0x194: {  	s13 =	simm.s32 $0x7280;
	v53 =	vmul.f32 v63, v63;
	v27 =	vmul.f32 $7.812500000e-03, v27  }
0x195: {  	v47 =	vld [tilespmem:s13+$0x10];
	s5 =	simm.s32 $0xB280;
	v22 =	vsub.f32 v22, v39;
	v21 =	vsub.f32 v21, v39;
	v31 =	vmul.f32 v31, v38  }
0x196: {  	v49 =	vld [tilespmem:s5+$0x10];
	v43 =	vsub.f32 v24, v39;
	v27 =	vsub.f32 v27, v53  }
0x197: {  	v45 =	vsub.f32 v26, v39;
	v56 =	vld [tilespmem:s13+$0x20];
	v31 =	vsub.f32 $1.500000000e+00, v31  }
0x198: {  	v46 =	vsub.f32 v28, v39;
	v58 =	vld [tilespmem:s5+$0x20];
	v42 =	vsub.f32 v23, v39;
	v23 =	vmax.f32 v27, $0.0e+00  }
0x199: {  	v54 =	vld [tilespmem:s5+$0x0];
	v20 =	vsub.f32 v20, v39;
	v24 =	vmul.f32 v31, v38;
	v23 =	vadd.f32 $9.999999960e-13, v23  }
0x19a: {  	v28 =	vsub.f32 v32, v63;
	v31 =	vld [tilespmem:s13+$0x0];
	v38 =	vsub.f32 v25, v39  }
0x19b: {  	v44 =	vld [tilespmem:s5+$0x70];
	v25 =	vmul.f32 v24, v29;
	v26 =	vshra.s32 v23, $0x1;
	v48 =	vmul.f32 $5.000000000e-01, v23  }
0x19c: {  	v51 =	vld [tilespmem:s13+$0x30];
	v32 =	vadd.f32 v49, v47;
	v27 =	vsub.f32 v33, v63;
	v50 =	vsub.s32 $0x5F3759DF, v26  }
0x19d: {  	v60 =	vld [tilespmem:s5+$0x30];
	v33 =	vadd.f32 v58, v56;
	v23 =	vmul.f32 v25, v24;
	v55 =	vmul.f32 v50, v48  }
0x19e: {  	v61 =	vld [tilespmem:s13+$0x40];
	v47 =	vmul.f32 v32, v32;
	v29 =	vsub.f32 v30, v63;
	v30 =	vsub.f32 v36, v63  }
0x19f: {  	v62 =	vld [tilespmem:s5+$0x40];
	v31 =	vadd.f32 v54, v31;
	v57 =	vsub.f32 $1.500000000e+00, v23;
	v59 =	vmul.f32 v50, v55  }
0x1a0: {  	v58 =	vld [tilespmem:s5+$0x50];
	v53 =	vmul.f32 v33, v33;
	v26 =	vsub.f32 v34, v63;
	v25 =	vsub.f32 v35, v63  }
0x1a1: {  	v56 =	vld [tilespmem:s5+$0xFFFFFF90];
	v49 =	vadd.f32 v32, v31;
	v34 =	vmul.f32 v57, v24;
	v35 =	vsub.f32 $1.500000000e+00, v59  }
0x1a2: {  	v23 =	vsub.f32 v37, v63;
	v24 =	vsub.f32 v41, v63;
	v63 =	vld [tilespmem:s13+$0x50];
	v57 =	vmul.f32 v31, v31  }
0x1a3: {  	v37 =	vld [tilespmem:s13+$0x60];
	v49 =	vadd.f32 v33, v49;
	v20 =	vmul.f32 v34, v20;
	v35 =	vmul.f32 v50, v35  }
0x1a4: {  	v50 =	vadd.f32 v60, v51;
	v47 =	vadd.f32 v47, v57;
	v51 =	vld [tilespmem:s5+$0x60];
	v40 =	vmul.f32 v34, v22  }
0x1a5: {  	v54 =	vadd.f32 v62, v61;
	v55 =	vld [tilespmem:s13+$0xFFFFFF90];
	v20 =	vmul.f32 v20, v11;
	v52 =	vmul.f32 v35, v48  }
0x1a6: {  	v22 =	vld [tilespmem:s13+$0xFFFFFF80];
	v59 =	vadd.f32 v50, v49;
	v47 =	vadd.f32 v53, v47;
	v61 =	vmul.f32 v50, v50  }
0x1a7: {  	v41 =	vmul.f32 v34, v21;
	v36 =	vadd.f32 v58, v63;
	v39 =	vadd.f32 v20, v19;
	v20 =	vld [tilespmem:s13+$0x70]  }
0x1a8: {  	v53 =	vld [tilespmem:s5+$0xFFFFFF80];
	v63 =	vmul.f32 v54, v54;
	v60 =	vmul.f32 v52, v35;
	v47 =	vadd.f32 v61, v47  }
0x1a9: {  	v42 =	vmul.f32 v34, v42;
	v62 =	vadd.f32 v54, v59;
	v51 =	vadd.f32 v51, v37  }
0x1aa: {  	v57 =	vld [tilespmem:s13+$0xFFFFFFB0];
	v49 =	vsub.f32 $1.500000000e+00, v60;
	v21 =	vadd.f32 v63, v47;
	v60 =	vmul.f32 v36, v36  }
0x1ab: {  	v55 =	vadd.f32 v56, v55;
	v52 =	vld [tilespmem:s13+$0xFFFFFFA0];
	v59 =	vadd.f32 v36, v62;
	v61 =	vmul.f32 v51, v51  }
0x1ac: {  	s6 =	simm.s32 $0xF180;
	v35 =	vmul.f32 v49, v35;
	v49 =	vld [tilespmem:s5+$0xFFFFFFA0];
	v21 =	vadd.f32 v60, v21;
	v20 =	vadd.f32 v44, v20  }
0x1ad: {  	v58 =	vld [tilespmem:s5+$0xFFFFFFB0];
	[tilespmem:s6+$0x70] =	vst v39;
	v39 =	vmul.f32 v42, v6;
	v53 =	vadd.f32 v53, v22;
	v37 =	vadd.f32 v51, v59  }
0x1ae: {  	v56 =	vld [tilespmem:s5+$0xFFFFFFC0];
	v60 =	vmul.f32 v55, v55;
	v62 =	vadd.f32 v61, v21;
	v63 =	vmul.f32 v20, v20  }
0x1af: {  	v59 =	vld [tilespmem:s13+$0xFFFFFFC0];
	v44 =	vmul.f32 v34, v43;
	v43 =	vmul.f32 v34, v38;
	v37 =	vadd.f32 v20, v37  }
0x1b0: {  	v47 =	vmul.f32 v53, v53;
	v21 =	vmul.f32 v34, v45;
	v45 =	vld [tilespmem:s13+$0xFFFFFFD0];
	v38 =	vadd.f32 v63, v62  }
0x1b1: {  	v61 =	vld [tilespmem:s5+$0xFFFFFFD0];
	v22 =	vperm.xlane v37, v0;
	v62 =	vadd.f32 v55, v53;
	v63 =	vadd.f32 v49, v52  }
0x1b2: {  	v57 =	vadd.f32 v58, v57;
	v48 =	vmul.f32 v35, v48;
	v47 =	vadd.f32 v60, v47  }
0x1b3: {  	v37 =	vadd.f32 v37, v22;
	v49 =	vperm.xlane v38, v0;
	v60 =	vadd.f32 v63, v62  }
0x1b4: {  	v52 =	vld [tilespmem:s13+$0xFFFFFFE0];
	v56 =	vadd.f32 v56, v59;
	v22 =	vmul.f32 v34, v46;
	v59 =	vmul.f32 v63, v63  }
0x1b5: {  	v34 =	vld [tilespmem:s5+$0xFFFFFFE0];
	v58 =	vperm.xlane v37, v1;
	v38 =	vadd.f32 v49, v38;
	v46 =	vadd.f32 v57, v60  }
0x1b6: {  	v48 =	vmul.f32 v48, v35;
	v60 =	vadd.f32 v61, v45;
	v47 =	vadd.f32 v59, v47  }
0x1b7: {  	v49 =	vld [tilespmem:s13+$0xFFFFFFF0];
	v59 =	vmul.f32 v57, v57;
	v37 =	vadd.f32 v37, v58;
	v61 =	vperm.xlane v38, v1  }
0x1b8: {  	v42 =	vmul.f32 v43, v8;
	v48 =	vsub.f32 $1.500000000e+00, v48;
	v58 =	vld [tilespmem:s5+$0xFFFFFFF0];
	v46 =	vadd.f32 v56, v46  }
0x1b9: {  	v47 =	vadd.f32 v59, v47;
	v38 =	vadd.f32 v61, v38;
	v45 =	vperm.xlane v37, v2  }
0x1ba: {  	v61 =	vadd.f32 v34, v52;
	v34 =	vmul.f32 v56, v56;
	v46 =	vadd.f32 v60, v46  }
0x1bb: {  	v35 =	vmul.f32 v48, v35;
	v37 =	vadd.f32 v37, v45;
	v45 =	vperm.xlane v38, v2  }
0x1bc: {  	v62 =	vmul.f32 v60, v60;
	v34 =	vadd.f32 v34, v47;
	v46 =	vadd.f32 v61, v46  }
0x1bd: {  	v58 =	vadd.f32 v58, v49;
	v49 =	vperm.xlane v37, v3;
	v38 =	vadd.f32 v45, v38  }
0x1be: {  	v30 =	vmul.f32 v35, v30;
	v59 =	vmul.f32 v61, v61;
	v34 =	vadd.f32 v62, v34  }
0x1bf: {  	v46 =	vadd.f32 v58, v46;
	v37 =	vadd.f32 v37, v49;
	v62 =	vperm.xlane v38, v3  }
0x1c0: {  	v52 =	vmul.f32 v58, v58;
	v49 =	vmul.f32 v35, v29;
	v29 =	vadd.f32 v59, v34  }
0x1c1: {  	v59 =	vperm.xlane v46, v0;
	v62 =	vadd.f32 v62, v38;
	v38 =	vmul.f32 $7.812500000e-03, v37  }
0x1c2: {  	v27 =	vmul.f32 v35, v27;
	v47 =	vmul.f32 v35, v28;
	v28 =	vadd.f32 v52, v29  }
0x1c3: {  	v34 =	vadd.f32 v46, v59;
	v29 =	vmul.f32 $7.812500000e-03, v62;
	v52 =	vmul.f32 v38, v38  }
0x1c4: {  	v48 =	vmul.f32 v35, v26;
	v59 =	vperm.xlane v28, v0  }
0x1c5: {  	v24 =	vmul.f32 v35, v24;
	v62 =	vperm.xlane v34, v1;
	v45 =	vsub.f32 v29, v52  }
0x1c6: {  	v48 =	vmul.f32 v48, v8;
	v37 =	vsub.f32 v31, v38;
	v26 =	vadd.f32 v59, v28  }
0x1c7: {  	v31 =	vsub.f32 v32, v38;
	v32 =	vadd.f32 v34, v62;
	v52 =	vmax.f32 v45, $0.0e+00  }
0x1c8: {  	v29 =	vsub.f32 v33, v38;
	v59 =	vperm.xlane v26, v1;
	v33 =	vadd.f32 $9.999999960e-13, v52  }
0x1c9: {  	v28 =	vsub.f32 v50, v38;
	v50 =	vmul.f32 v35, v23;
	v62 =	vperm.xlane v32, v2  }
0x1ca: {  	v52 =	vadd.f32 v59, v26;
	v23 =	vshra.s32 v33, $0x1;
	v45 =	vmul.f32 $5.000000000e-01, v33  }
0x1cb: {  	v49 =	vmul.f32 v49, v4;
	v32 =	vadd.f32 v32, v62;
	v33 =	vsub.s32 $0x5F3759DF, v23  }
0x1cc: {  	v59 =	vperm.xlane v52, v2;
	v62 =	vmul.f32 v33, v45  }
0x1cd: {  	v34 =	vmul.f32 v35, v25;
	v46 =	vperm.xlane v32, v3  }
0x1ce: {  	v26 =	vsub.f32 v36, v38;
	v35 =	vadd.f32 v59, v52;
	v36 =	vmul.f32 v33, v62  }
0x1cf: {  	v59 =	vmul.f32 v47, v5;
	v47 =	vmul.f32 v30, v6;
	v32 =	vadd.f32 v32, v46  }
0x1d0: {  	v46 =	vmul.f32 v27, v7;
	v27 =	vperm.xlane v35, v3;
	v30 =	vsub.f32 $1.500000000e+00, v36  }
0x1d1: {  	v25 =	vsub.f32 v54, v38;
	v23 =	vsub.f32 v51, v38;
	v51 =	vmul.f32 $7.812500000e-03, v32  }
0x1d2: {  	v54 =	vadd.f32 v49, v12;
	v27 =	vadd.f32 v27, v35;
	v62 =	vmul.f32 v33, v30  }
0x1d3: {  	v49 =	vmul.f32 v50, v10;
	v30 =	vmul.f32 v51, v51;
	v36 =	vsub.f32 v53, v51  }
0x1d4: {  	v35 =	vsub.f32 v63, v51;
	v27 =	vmul.f32 $7.812500000e-03, v27;
	v63 =	vmul.f32 v62, v45  }
0x1d5: {  	v52 =	vmul.f32 v34, v9;
	v34 =	vsub.f32 v55, v51;
	v33 =	vsub.f32 v57, v51  }
0x1d6: {  	v32 =	vsub.f32 v56, v51;
	v57 =	vsub.f32 v27, v30;
	v53 =	vmul.f32 v63, v62  }
0x1d7: {  	v50 =	vmul.f32 v24, v11;
	v24 =	vsub.f32 v58, v51;
	v30 =	vsub.f32 v60, v51  }
0x1d8: {  	v27 =	vsub.f32 v61, v51;
	v61 =	vmax.f32 v57, $0.0e+00;
	v63 =	vsub.f32 $1.500000000e+00, v53  }
0x1d9: {  	v51 =	vmul.f32 v40, v4;
	v53 =	vmul.f32 v41, v5;
	v55 =	vadd.f32 $9.999999960e-13, v61  }
0x1da: {  	s8 =	simm.s32 $0x2;
	s10 =	simm.s32 $0x7380;
	s7 =	simm.s32 $0xF180;
	[tilespmem:s6+$0xFFFFFF80] =	vst v54;
	v40 =	vadd.f32 v59, v13;
	v41 =	vmul.f32 v44, v7;
	v54 =	vmul.f32 v63, v62  }
.LBB2_9:
0x1db: {  	v43 =	vld [tilespmem:s10+$0x0];
	v44 =	vshra.s32 v55, $0x1;
	v55 =	vmul.f32 $5.000000000e-01, v55;
	s5 =	sadd.s32 $0x100, s5;
	v56 =	vmul.f32 v21, v9  }
0x1dc: {  	v21 =	vld [tilespmem:s5+$0x0];
	v44 =	vsub.s32 $0x5F3759DF, v44;
	v45 =	vmul.f32 v54, v45;
	[tilespmem:s6+$0xFFFFFF90] =	vst v40;
	v40 =	vmul.f32 v22, v10  }
0x1dd: {  	v47 =	vadd.f32 v47, v14;
	v46 =	vadd.f32 v46, v15;
	v22 =	vld [tilespmem:s10+$0x10];
	v57 =	vmul.f32 v44, v55  }
0x1de: {  	v48 =	vadd.f32 v48, v16;
	v52 =	vadd.f32 v52, v17;
	v58 =	vld [tilespmem:s5+$0x10];
	v45 =	vmul.f32 v45, v54  }
0x1df: {  	s8 =	sadd.s32 $0x2, s8;
	v59 =	vld [tilespmem:s10+$0x30];
	v57 =	vmul.f32 v44, v57;
	[tilespmem:s6+$0xFFFFFFA0] =	vst v47;
	v47 =	vadd.f32 v49, v18;
	v49 =	vadd.f32 v50, v19  }
0x1e0: {  	v51 =	vadd.f32 v51, v12;
	p1 =	slt.u32 s8, $0x3E;
	v50 =	vld [tilespmem:s10+$0x20];
	v45 =	vsub.f32 $1.500000000e+00, v45;
	[tilespmem:s6+$0xFFFFFFB0] =	vst v46  }
0x1e1: {  	v60 =	vld [tilespmem:s5+$0x20];
	v57 =	vsub.f32 $1.500000000e+00, v57;
	[tilespmem:s6+$0xFFFFFFC0] =	vst v48;
	v48 =	vadd.f32 v53, v13  }
0x1e2: {  	v20 =	vsub.f32 v20, v38;
	v38 =	vadd.f32 v39, v14;
	v53 =	vld [tilespmem:s5+$0x30];
	v61 =	vmul.f32 v45, v54;
	[tilespmem:s6+$0xFFFFFFD0] =	vst v52  }
0x1e3: {  	v45 =	vadd.f32 v21, v43;
	v46 =	vadd.f32 v58, v22;
	v21 =	vld [tilespmem:s10+$0x40];
	v22 =	vmul.f32 v44, v57;
	[tilespmem:s6+$0xFFFFFFE0] =	vst v47  }
0x1e4: {  	v43 =	vld [tilespmem:s5+$0x40];
	v39 =	vmul.f32 v61, v37;
	v20 =	vmul.f32 v61, v20;
	[tilespmem:s6+$0xFFFFFFF0] =	vst v49;
	v37 =	vadd.f32 v41, v15  }
0x1e5: {  	v42 =	vadd.f32 v42, v16;
	v41 =	vmul.f32 v45, v45;
	v44 =	vld [tilespmem:s10+$0x50];
	v49 =	vmul.f32 v46, v46;
	[tilespmem:s6+$0x0] =	vst v51  }
0x1e6: {  	v51 =	vadd.f32 v46, v45;
	v47 =	vadd.f32 v60, v50;
	v50 =	vld [tilespmem:s5+$0x50];
	v20 =	vmul.f32 v20, v11;
	[tilespmem:s6+$0x10] =	vst v48  }
0x1e7: {  	v48 =	vadd.f32 v53, v59;
	v53 =	vld [tilespmem:s10+$0x60];
	v52 =	vadd.f32 v49, v41;
	v41 =	vmul.f32 v22, v55;
	[tilespmem:s6+$0x20] =	vst v38  }
0x1e8: {  	v38 =	vld [tilespmem:s5+$0x60];
	v51 =	vadd.f32 v47, v51;
	v54 =	vmul.f32 v47, v47;
	v20 =	vadd.f32 v20, v19;
	[tilespmem:s6+$0x30] =	vst v37  }
0x1e9: {  	s6 =	sadd.s32 $0x100, s6;
	v49 =	vadd.f32 v43, v21;
	v21 =	vld [tilespmem:s10+$0x70];
	v37 =	vmul.f32 v41, v22;
	v41 =	vmul.f32 v61, v31;
	[tilespmem:s7+$0x40] =	vst v42  }
0x1ea: {  	v31 =	vld [tilespmem:s5+$0x70];
	v43 =	vadd.f32 v54, v52;
	v51 =	vadd.f32 v48, v51;
	v54 =	vmul.f32 v48, v48;
	[tilespmem:s6+$0x70] =	vst v20  }
0x1eb: {  	v42 =	vmul.f32 v61, v29;
	v57 =	vld [tilespmem:s5+$0xFFFFFF80];
	v52 =	vadd.f32 v50, v44;
	v20 =	vsub.f32 $1.500000000e+00, v37  }
0x1ec: {  	v50 =	vmul.f32 v49, v49;
	v29 =	vld [tilespmem:s10+$0xFFFFFF90];
	v37 =	vadd.f32 v54, v43;
	v44 =	vadd.f32 v49, v51  }
0x1ed: {  	v43 =	vmul.f32 v61, v28;
	v51 =	vld [tilespmem:s5+$0xFFFFFF90];
	v54 =	vadd.f32 v38, v53;
	v38 =	vmul.f32 v20, v22  }
0x1ee: {  	v22 =	vld [tilespmem:s10+$0xFFFFFF80];
	v28 =	vadd.f32 v50, v37;
	v37 =	vadd.f32 v52, v44;
	v50 =	vmul.f32 v52, v52  }
0x1ef: {  	v44 =	vmul.f32 v61, v25;
	v53 =	vld [tilespmem:s10+$0xFFFFFFA0];
	v20 =	vadd.f32 v31, v21;
	v21 =	vmul.f32 v38, v55  }
0x1f0: {  	v25 =	vld [tilespmem:s5+$0xFFFFFFA0];
	v28 =	vadd.f32 v50, v28;
	v31 =	vadd.f32 v54, v37;
	v37 =	vmul.f32 v54, v54  }
0x1f1: {  	v55 =	vld [tilespmem:s10+$0xFFFFFFB0];
	v58 =	vmul.f32 v21, v38;
	v21 =	vmul.f32 v61, v26;
	v26 =	vadd.f32 v56, v17  }
0x1f2: {  	v56 =	vld [tilespmem:s5+$0xFFFFFFB0];
	v28 =	vadd.f32 v37, v28;
	v31 =	vadd.f32 v20, v31;
	v37 =	vmul.f32 v20, v20  }
0x1f3: {  	v51 =	vadd.f32 v51, v29;
	v50 =	vadd.f32 v57, v22;
	v29 =	vld [tilespmem:s10+$0xFFFFFFC0];
	v22 =	vmul.f32 v61, v23;
	[tilespmem:s7+$0x50] =	vst v26  }
0x1f4: {  	v23 =	vld [tilespmem:s5+$0xFFFFFFC0];
	v26 =	vadd.f32 v37, v28;
	v28 =	vperm.xlane v31, v0;
	v37 =	vsub.f32 $1.500000000e+00, v58  }
0x1f5: {  	v60 =	vmul.f32 v51, v51;
	v57 =	vld [tilespmem:s10+$0xFFFFFFD0];
	v58 =	vmul.f32 v50, v50;
	v59 =	vadd.f32 v51, v50  }
0x1f6: {  	v53 =	vadd.f32 v25, v53;
	v25 =	vld [tilespmem:s5+$0xFFFFFFD0];
	v28 =	vadd.f32 v31, v28;
	v31 =	vperm.xlane v26, v0  }
0x1f7: {  	v55 =	vadd.f32 v56, v55;
	v61 =	vld [tilespmem:s10+$0xFFFFFFE0];
	v58 =	vadd.f32 v60, v58;
	v60 =	vmul.f32 v37, v38  }
0x1f8: {  	v38 =	vadd.f32 v53, v59;
	v37 =	vld [tilespmem:s5+$0xFFFFFFE0];
	v59 =	vperm.xlane v28, v1;
	v26 =	vadd.f32 v31, v26  }
0x1f9: {  	v56 =	vadd.f32 v23, v29;
	v23 =	vld [tilespmem:s10+$0xFFFFFFF0];
	v29 =	vmul.f32 v53, v53;
	v31 =	vmul.f32 v55, v55  }
0x1fa: {  	v38 =	vadd.f32 v55, v38;
	v62 =	vld [tilespmem:s5+$0xFFFFFFF0];
	v28 =	vadd.f32 v28, v59;
	v59 =	vperm.xlane v26, v1  }
0x1fb: {  	v57 =	vadd.f32 v25, v57;
	v25 =	vadd.f32 v29, v58;
	v29 =	vmul.f32 v56, v56  }
0x1fc: {  	v38 =	vadd.f32 v56, v38;
	v58 =	vperm.xlane v28, v2;
	v26 =	vadd.f32 v59, v26  }
0x1fd: {  	v59 =	vadd.f32 v37, v61;
	v25 =	vadd.f32 v31, v25;
	v31 =	vmul.f32 v57, v57  }
0x1fe: {  	v37 =	vadd.f32 v57, v38;
	v28 =	vadd.f32 v28, v58;
	v38 =	vperm.xlane v26, v2  }
0x1ff: {  	v58 =	vadd.f32 v62, v23;
	v23 =	vadd.f32 v29, v25;
	v25 =	vmul.f32 v59, v59  }
0x200: {  	v29 =	vadd.f32 v59, v37;
	v37 =	vperm.xlane v28, v3;
	v26 =	vadd.f32 v38, v26  }
0x201: {  	v36 =	vmul.f32 v60, v36;
	v23 =	vadd.f32 v31, v23;
	v31 =	vmul.f32 v58, v58  }
0x202: {  	v29 =	vadd.f32 v58, v29;
	v28 =	vadd.f32 v28, v37;
	v37 =	vperm.xlane v26, v3  }
0x203: {  	v34 =	vmul.f32 v60, v34;
	v35 =	vmul.f32 v60, v35;
	v23 =	vadd.f32 v25, v23  }
0x204: {  	v25 =	vperm.xlane v29, v0;
	v26 =	vadd.f32 v37, v26;
	v38 =	vmul.f32 $7.812500000e-03, v28  }
0x205: {  	v33 =	vmul.f32 v60, v33;
	v32 =	vmul.f32 v60, v32;
	v23 =	vadd.f32 v31, v23  }
0x206: {  	v25 =	vadd.f32 v29, v25;
	v26 =	vmul.f32 $7.812500000e-03, v26;
	v28 =	vmul.f32 v38, v38  }
0x207: {  	v37 =	vsub.f32 v45, v38;
	v31 =	vsub.f32 v46, v38;
	v61 =	vperm.xlane v23, v0  }
0x208: {  	v29 =	vsub.f32 v47, v38;
	v45 =	vperm.xlane v25, v1;
	v26 =	vsub.f32 v26, v28  }
0x209: {  	v30 =	vmul.f32 v60, v30;
	v28 =	vsub.f32 v48, v38;
	v46 =	vadd.f32 v61, v23  }
0x20a: {  	v47 =	vadd.f32 v25, v45;
	v25 =	vsub.f32 v49, v38;
	v23 =	vmax.f32 v26, $0.0e+00  }
0x20b: {  	v26 =	vsub.f32 v52, v38;
	v45 =	vperm.xlane v46, v1;
	v48 =	vadd.f32 $9.999999960e-13, v23  }
0x20c: {  	v27 =	vmul.f32 v60, v27;
	v49 =	vperm.xlane v47, v2;
	v23 =	vsub.f32 v54, v38  }
0x20d: {  	v46 =	vadd.f32 v45, v46;
	v52 =	vshra.s32 v48, $0x1;
	v45 =	vmul.f32 $5.000000000e-01, v48  }
0x20e: {  	v24 =	vmul.f32 v60, v24;
	v47 =	vadd.f32 v47, v49;
	v49 =	vsub.s32 $0x5F3759DF, v52  }
0x20f: {  	v40 =	vadd.f32 v40, v18;
	v48 =	vperm.xlane v46, v2;
	v52 =	vmul.f32 v49, v45  }
0x210: {  	v36 =	vmul.f32 v36, v4;
	v54 =	vperm.xlane v47, v3  }
0x211: {  	v61 =	vmul.f32 v34, v5;
	v60 =	vadd.f32 v48, v46;
	v48 =	vmul.f32 v49, v52;
	[tilespmem:s7+$0x60] =	vst v40;
	s7 =	smov.u32 s6  }
0x212: {  	v34 =	vadd.f32 v47, v54;
	v47 =	vmul.f32 v35, v6;
	v46 =	vmul.f32 v33, v7  }
0x213: {  	v33 =	vperm.xlane v60, v3;
	v35 =	vsub.f32 $1.500000000e+00, v48;
	v48 =	vmul.f32 v32, v8  }
0x214: {  	v52 =	vmul.f32 v30, v9;
	v40 =	vmul.f32 $7.812500000e-03, v34;
	v32 =	vadd.f32 v36, v12  }
0x215: {  	v30 =	vadd.f32 v33, v60;
	v54 =	vmul.f32 v49, v35;
	v49 =	vmul.f32 v27, v10  }
0x216: {  	v27 =	vmul.f32 v40, v40;
	v36 =	vsub.f32 v50, v40;
	v34 =	vsub.f32 v51, v40;
	[tilespmem:s6+$0xFFFFFF80] =	vst v32  }
0x217: {  	v35 =	vsub.f32 v53, v40;
	v30 =	vmul.f32 $7.812500000e-03, v30;
	v51 =	vmul.f32 v54, v45  }
0x218: {  	v33 =	vsub.f32 v55, v40;
	v50 =	vmul.f32 v24, v11;
	v32 =	vsub.f32 v56, v40  }
.Ltmp4:
0x219: {  	v53 =	vsub.f32 v30, v27;
	v30 =	vsub.f32 v57, v40;
	v55 =	vmul.f32 v51, v54;
	(pc) =	sbr.rel @p1 .LBB2_9-.Ltmp4, $4  }
0x21a: {  	v24 =	vsub.f32 v58, v40;
	v27 =	vsub.f32 v59, v40;
	v51 =	vmul.f32 v39, v4  }
0x21b: {  	v39 =	vmax.f32 v53, $0.0e+00;
	v40 =	vsub.f32 $1.500000000e+00, v55;
	v53 =	vmul.f32 v41, v5  }
0x21c: {  	v41 =	vmul.f32 v43, v7;
	v55 =	vadd.f32 $9.999999960e-13, v39;
	v39 =	vmul.f32 v42, v6  }
0x21d: {  	s10 =	sadd.s32 $0x100, s10;
	v42 =	vmul.f32 v44, v8;
	v54 =	vmul.f32 v40, v54;
	v40 =	vadd.f32 v61, v13  }
0x21e: {  	v43 =	vshra.s32 v55, $0x1;
	v44 =	vmul.f32 $5.000000000e-01, v55  }
0x21f: {  	v43 =	vsub.s32 $0x5F3759DF, v43  }
0x220: {  	v55 =	vmul.f32 v43, v44;
	_ =	sdelay $0x1  }
0x221: {  	v55 =	vmul.f32 v43, v55;
	_ =	sdelay $0x1  }
0x222: {  	v55 =	vsub.f32 $1.500000000e+00, v55;
	_ =	sdelay $0x1  }
0x223: {  	v43 =	vmul.f32 v43, v55;
	_ =	sdelay $0x1  }
0x224: {  	v55 =	vmul.f32 v43, v44;
	_ =	sdelay $0x1  }
0x225: {  	v55 =	vmul.f32 v55, v43  }
0x226: {  	v47 =	vadd.f32 v47, v14  }
0x227: {  	v57 =	vadd.f32 v46, v15;
	v45 =	vmul.f32 v54, v45;
	[tilespmem:s6+$0xFFFFFF90] =	vst v40;
	v55 =	vsub.f32 $1.500000000e+00, v55  }
0x228: {  	v58 =	vadd.f32 v48, v16;
	[tilespmem:s6+$0xFFFFFFA0] =	vst v47  }
0x229: {  	v59 =	vadd.f32 v52, v17;
	[tilespmem:s6+$0xFFFFFFB0] =	vst v57;
	v45 =	vmul.f32 v45, v54;
	v43 =	vmul.f32 v55, v43  }
0x22a: {  	v60 =	vadd.f32 v49, v18;
	[tilespmem:s6+$0xFFFFFFC0] =	vst v58  }
0x22b: {  	v61 =	vadd.f32 v50, v19;
	[tilespmem:s6+$0xFFFFFFD0] =	vst v59;
	v45 =	vsub.f32 $1.500000000e+00, v45;
	v44 =	vmul.f32 v43, v44  }
0x22c: {  	v20 =	vsub.f32 v20, v38;
	v62 =	vadd.f32 v51, v12;
	[tilespmem:s6+$0xFFFFFFE0] =	vst v60  }
0x22d: {  	v48 =	vadd.f32 v53, v13;
	[tilespmem:s6+$0xFFFFFFF0] =	vst v61;
	v45 =	vmul.f32 v45, v54;
	v44 =	vmul.f32 v44, v43  }
0x22e: {  	v39 =	vadd.f32 v39, v14;
	v50 =	vadd.f32 v41, v15;
	v22 =	vmul.f32 v22, v10;
	[tilespmem:s6+$0x0] =	vst v62  }
0x22f: {  	v21 =	vmul.f32 v21, v9;
	[tilespmem:s6+$0x10] =	vst v48;
	v20 =	vmul.f32 v45, v20;
	v63 =	vsub.f32 $1.500000000e+00, v44  }
0x230: {  	[tilespmem:s6+$0x20] =	vst v39;
	v22 =	vadd.f32 v22, v18;
	v57 =	vmul.f32 v45, v37;
	v31 =	vmul.f32 v45, v31  }
0x231: {  	v51 =	vadd.f32 v42, v16;
	[tilespmem:s6+$0x30] =	vst v50;
	v20 =	vmul.f32 v20, v11;
	v49 =	vmul.f32 v63, v43  }
0x232: {  	v21 =	vadd.f32 v21, v17;
	[tilespmem:s7+$0x60] =	vst v22;
	v23 =	vmul.f32 v45, v23;
	v22 =	vmul.f32 v57, v4  }
0x233: {  	[tilespmem:s7+$0x40] =	vst v51;
	v59 =	vmul.f32 v31, v5;
	v20 =	vadd.f32 v20, v19;
	v36 =	vmul.f32 v49, v36  }
0x234: {  	s5 =	sadd.s32 $0x100, s6;
	[tilespmem:s7+$0x50] =	vst v21;
	v23 =	vmul.f32 v23, v10;
	v22 =	vadd.f32 v22, v12;
	v34 =	vmul.f32 v49, v34  }
0x235: {  	v60 =	vadd.f32 v59, v13;
	[tilespmem:s5+$0x70] =	vst v20;
	v35 =	vmul.f32 v49, v35;
	v36 =	vmul.f32 v36, v4  }
0x236: {  	[tilespmem:s5+$0x0] =	vst v22;
	v63 =	vadd.f32 v23, v18;
	v20 =	vmul.f32 v49, v33;
	v52 =	vmul.f32 v34, v5  }
0x237: {  	[tilespmem:s5+$0x10] =	vst v60;
	v53 =	vmul.f32 v49, v32;
	v54 =	vmul.f32 v35, v6;
	v55 =	vadd.f32 v36, v12  }
0x238: {  	v30 =	vmul.f32 v49, v30;
	[tilespmem:s5+$0x60] =	vst v63;
	v20 =	vmul.f32 v20, v7;
	v56 =	vadd.f32 v52, v13  }
0x239: {  	v24 =	vmul.f32 v49, v24;
	v21 =	vmul.f32 v53, v8;
	v32 =	vadd.f32 v54, v14;
	[tilespmem:s5+$0xFFFFFF80] =	vst v55  }
0x23a: {  	v27 =	vmul.f32 v49, v27;
	v30 =	vmul.f32 v30, v9;
	v20 =	vadd.f32 v20, v15;
	[tilespmem:s5+$0xFFFFFF90] =	vst v56  }
0x23b: {  	v25 =	vmul.f32 v45, v25;
	v24 =	vmul.f32 v24, v11;
	v21 =	vadd.f32 v21, v16;
	[tilespmem:s5+$0xFFFFFFA0] =	vst v32  }
0x23c: {  	v27 =	vmul.f32 v27, v10;
	v30 =	vadd.f32 v30, v17;
	[tilespmem:s5+$0xFFFFFFB0] =	vst v20;
	v20 =	vmul.f32 v45, v29  }
0x23d: {  	v58 =	vmul.f32 v45, v28;
	v61 =	vmul.f32 v25, v8;
	v24 =	vadd.f32 v24, v19;
	[tilespmem:s5+$0xFFFFFFC0] =	vst v21  }
0x23e: {  	v26 =	vmul.f32 v45, v26;
	v27 =	vadd.f32 v27, v18;
	[tilespmem:s5+$0xFFFFFFD0] =	vst v30;
	v20 =	vmul.f32 v20, v6  }
0x23f: {  	s14 =	sadd.s32 $0x1, s14;
	v21 =	vmul.f32 v58, v7;
	[tilespmem:s5+$0xFFFFFFF0] =	vst v24;
	v24 =	vadd.f32 v61, v16  }
0x240: {  	p1 =	sne.s32 s14, $0x32;
	v62 =	vmul.f32 v26, v9;
	[tilespmem:s5+$0xFFFFFFE0] =	vst v27;
	v20 =	vadd.f32 v20, v14  }
.Ltmp5:
0x241: {  	s13 =	sshll.u32 s19, $0xD;
	v21 =	vadd.f32 v21, v15;
	[tilespmem:s5+$0x40] =	vst v24;
	(pc) =	sbr.rel @p1 .LBB2_2-.Ltmp5, $4  }
0x242: {  	s6 =	sadd.s32 s9, s13;
	[tilespmem:s5+$0x20] =	vst v20;
	v20 =	vadd.f32 v62, v17  }
0x243: {  	s6 =	sshrl.u32 s6, $0x3;
	[tilespmem:s5+$0x30] =	vst v21  }
0x244: {  	s19 =	sadd.s32 s1, s6;
	[tilespmem:s5+$0x50] =	vst v20  }
0x245: {  	[hbm4b:s19+s4] =	stream.linear.scatter [tilespmem:s30], [sflag:$0x8], $0x2000, $0x38;
	[tilespmem:$0x1CD40] =	vst v63  }
0x246: {  	_ =	swait.ge [sflag:s31], $0x2000  }
0x247: {  	[sflag:s31] =	ssyncset.done $0x0  }
0x248: {  	[sflag:s31] =	ssyncadd.s32 $0xFFFFE000  }
0x249: {  	_ =	swait.ge [sflag:s29], $0x2000  }
0x24a: {  	s2 =	sadd.s32 $0x1, s2;
	s5 =	rddreg [dreg:$0x9]  }
0x24b: {  	p1 =	sne.s32 s2, s5  }
.Ltmp6:
0x24c: {  	_ = 	snop;
	(pc) =	sbr.rel @p1 .LBB2_1-.Ltmp6, $3  }
0x24d: {  	_ =	sdelay $0x1  }
0x24e: {  	[sflag:s29] =	ssyncset.done $0x0  }
0x24f: {  	[sflag:s29] =	ssyncadd.s32 $0xFFFFE000  }
0x250: {  	_ =	sfence.sel $0x180000  }
0x251: {  	[bflag:$0x0] =	sbarrier.arrive $0xFFFF  }
0x252: {  	_ =	strace $0x90000047  }
0x253: {  	[bflag:$0x2] =	sbarrier.arrive $0xFFFF  }
0x254: {  	s0 =	rddreg [dreg:$0x4]  }
0x255: {  	s0 =	sadd.s32 @!p0 $0x100000, s0  }
0x256: {  	[sflag:s0] =	ssyncadd.tile.s32 @!p0 $0x1;
	_ =	shalt  }
.Lfunc_end2:
_tile_overlayer_lowered:
.L_overlay_start_2:
0x257: {  	(tag) =	ssettag $0x2  }
0x258: {  	s0 =	rddreg [dreg:$0x0];
	s2 =	stileid.u32  }
0x259: {  	s1 =	rddreg [dreg:$0x1];
	p0 =	sne.s32 s2, $0x0  }
0x25a: {  	s3 =	rddreg [dreg:$0x2];
	[bflag:$0x3] =	sbarrier.arrive $0xFFFF;
	s2 =	simm.s32 @!p0 $0x1C09  }
0x25b: {  	[timem:s3], [sflag:s2] =	dma.local @!p0 [hbm:s0], s1  }
0x25c: {  	s0 =	simm.s32 @!p0 $0x9  }
0x25d: {  	_ =	swait.ge @!p0 [sflag:s0], s1  }
0x25e: {  	s1 =	ssub.s32 @!p0 $0x0, s1;
	[sflag:s0] =	ssyncset.done @!p0 $0x0  }
0x25f: {  	[sflag:s0] =	ssyncadd.s32 @!p0 s1  }
0x260: {  	[bflag:$0x3] =	sbarrier.arrive $0xFFFF  }
0x261: {  	_ =	shalt  }

</sc_bundles>
